<compile_context>
chip_gen: v7x
topology: tpu7x:2x2x1
jax: 0.10.2.dev20260603
libtpu: 0.0.44.dev20260713+nightly
codegen_flags: <defaults>
</compile_context>

<pallas_src>
import functools
import math

import jax
import jax.numpy as jnp
from jax import lax
from jax.experimental import pallas as pl
from jax.experimental.pallas import tpu as pltpu
from jax.experimental.pallas import tpu_sc as plsc

B, N, DEG, D, H = 2, 10000, 16, 128, 4
HD = D // H
NDEG = N * DEG
NW = 32
ROWS_PER_W = 5120
NPAD = NW * ROWS_PER_W
CH = 128
NCH = ROWS_PER_W // CH
TW = 2 * D

NB = 200
GB = NB * DEG
NBLK = N // NB
NSLAB = NPAD // DEG

NBP = 2000
NPRE = N // NBP


def _pack_bf16(y):
    u = lax.bitcast_convert_type(y, jnp.uint32)
    r = (u + jnp.uint32(0x8000)) >> jnp.uint32(16)
    packed = r[:, :D // 2] | (r[:, D // 2:] << jnp.uint32(16))
    return lax.bitcast_convert_type(packed, jnp.int32)


def _unpack_bf16(gi):
    gu = lax.bitcast_convert_type(gi, jnp.uint32)
    lo = lax.bitcast_convert_type(gu << jnp.uint32(16), jnp.float32)
    hi = lax.bitcast_convert_type(gu & jnp.uint32(0xFFFF0000), jnp.float32)
    return jnp.concatenate([lo, hi], axis=1)


def _pre_body(x_ref, wkT_ref, bk_ref, wvT_ref, bv_ref, out_ref):
    wkT = wkT_ref[...]
    wvT = wvT_ref[...]
    hw = D // 2
    for b in range(B):
        xb = x_ref[b]
        out_ref[:, b * hw:(b + 1) * hw] = _pack_bf16(
            jnp.dot(xb, wkT, preferred_element_type=jnp.float32) + bk_ref[...])
        out_ref[:, D + b * hw:D + (b + 1) * hw] = _pack_bf16(
            jnp.dot(xb, wvT, preferred_element_type=jnp.float32) + bv_ref[...])


def _build_table(x, WkT, bk, WvT, bv):
    return pl.pallas_call(
        _pre_body,
        grid=(NPRE,),
        in_specs=[
            pl.BlockSpec((B, NBP, D), lambda i: (0, i, 0)),
            pl.BlockSpec((D, D), lambda i: (0, 0)),
            pl.BlockSpec((1, D), lambda i: (0, 0)),
            pl.BlockSpec((D, D), lambda i: (0, 0)),
            pl.BlockSpec((1, D), lambda i: (0, 0)),
        ],
        out_specs=pl.BlockSpec((NBP, TW), lambda i: (i, 0)),
        out_shape=jax.ShapeDtypeStruct((N, TW), jnp.int32),
    )(x, WkT, bk, WvT, bv)


def _gather_body(table_hbm, idx_hbm, out_hbm, idx_v, rows_v, sem0, sem1):
    c = lax.axis_index("c")
    s = lax.axis_index("s")
    wid = s * 2 + c
    base = wid * ROWS_PER_W
    pltpu.sync_copy(idx_hbm.at[pl.ds(base, ROWS_PER_W)], idx_v)
    sems = (sem0, sem1)
    bufs = (rows_v.at[0], rows_v.at[1])

    def start_g(j, b):
        pltpu.async_copy(
            table_hbm.at[idx_v.at[pl.ds(j * CH, CH)]], bufs[b], sems[b])

    def finish(j, b):
        pltpu.make_async_copy(
            table_hbm.at[idx_v.at[pl.ds(0, CH)]], bufs[b], sems[b]).wait()
        pltpu.sync_copy(bufs[b], out_hbm.at[pl.ds(base + j * CH, CH)])

    start_g(0, 0)

    def body(p, carry):
        j0 = p * 2
        start_g(j0 + 1, 1)
        finish(j0, 0)

        @pl.when(p < NCH // 2 - 1)
        def _():
            start_g(j0 + 2, 0)

        finish(j0 + 1, 1)
        return carry

    lax.fori_loop(0, NCH // 2, body, 0)


def _gather_rows(table, idx_pad):
    mesh = plsc.VectorSubcoreMesh(core_axis_name="c", subcore_axis_name="s")
    k = pl.kernel(
        _gather_body,
        out_type=jax.ShapeDtypeStruct((NPAD, TW), jnp.int32),
        mesh=mesh,
        scratch_types=[
            pltpu.VMEM((ROWS_PER_W,), jnp.int32),
            pltpu.VMEM((2, CH, TW), jnp.int32),
            pltpu.SemaphoreType.DMA,
            pltpu.SemaphoreType.DMA,
        ],
    )
    return k(table, idx_pad)


def _post_body(x_ref, g_ref, dir_ref, mask_ref,
               wqT_ref, bq_ref, woT_ref, bo_ref,
               ln1g_ref, ln1b_ref, ln2g_ref, ln2b_ref,
               wf1T_ref, bf1_ref, wf2T_ref, bf2_ref,
               weC_ref, beC_ref, p_ref, out_ref):
    inv = 1.0 / math.sqrt(HD)
    hw = D // 2
    P = p_ref[...]
    P_lo = P[:hw, :]
    P_hi = P[hw:, :]
    woT = woT_ref[...]

    dirS = dir_ref[...].reshape(GB, 1)
    maskS = mask_ref[...].reshape(GB, 1)
    em = jnp.where(maskS > 0.5,
                   dirS * weC_ref[...] + beC_ref[...], -1e9)
    wqT = wqT_ref[...]
    gb = g_ref[...].reshape(GB, TW)

    def _halves(u):
        uu = lax.bitcast_convert_type(u, jnp.uint32)
        lo = lax.bitcast_convert_type(uu << jnp.uint32(16), jnp.float32)
        hi = lax.bitcast_convert_type(
            uu & jnp.uint32(0xFFFF0000), jnp.float32)
        return lo, hi

    def _slabsum(a):
        parts = [a[d * NB:(d + 1) * NB, :] for d in range(DEG)]
        while len(parts) > 1:
            parts = [parts[i] + parts[i + 1] for i in range(0, len(parts), 2)]
        return parts[0]

    for b in range(B):
        xb = x_ref[b]
        q = (jnp.dot(xb, wqT, preferred_element_type=jnp.float32)
             + bq_ref[...]) * inv
        q_lo = q[:, :hw]
        q_hi = q[:, hw:]
        kl, kh = _halves(gb[:, b * hw:(b + 1) * hw])
        prod_lo = (kl.reshape(DEG, NB, hw) * q_lo[None]).reshape(GB, hw)
        prod_hi = (kh.reshape(DEG, NB, hw) * q_hi[None]).reshape(GB, hw)
        lg = (jnp.dot(prod_lo, P_lo, preferred_element_type=jnp.float32)
              + jnp.dot(prod_hi, P_hi, preferred_element_type=jnp.float32)
              + em)
        e = jnp.exp(lg)
        vl, vh = _halves(gb[:, D + b * hw:D + (b + 1) * hw])
        wl = e[:, :hw] * vl
        wh = e[:, hw:] * vh
        den = _slabsum(e) + 1e-20
        agg_lo = _slabsum(wl) / den[:, :hw]
        agg_hi = _slabsum(wh) / den[:, hw:]

        h1 = (xb
              + jnp.dot(agg_lo, woT[:hw, :],
                        preferred_element_type=jnp.float32)
              + jnp.dot(agg_hi, woT[hw:, :],
                        preferred_element_type=jnp.float32) + bo_ref[...])
        m = jnp.mean(h1, axis=-1, keepdims=True)
        v = jnp.mean((h1 - m) ** 2, axis=-1, keepdims=True)
        h = (h1 - m) / jnp.sqrt(v + 1e-5) * ln1g_ref[...] + ln1b_ref[...]

        f = jnp.maximum(
            jnp.dot(h, wf1T_ref[...], preferred_element_type=jnp.float32)
            + bf1_ref[...], 0.0)
        f = jnp.dot(f, wf2T_ref[...],
                    preferred_element_type=jnp.float32) + bf2_ref[...]
        h2 = h + f
        m2 = jnp.mean(h2, axis=-1, keepdims=True)
        v2 = jnp.mean((h2 - m2) ** 2, axis=-1, keepdims=True)
        out_ref[b] = ((h2 - m2) / jnp.sqrt(v2 + 1e-5) * ln2g_ref[...]
                      + ln2b_ref[...])


def _post(x, g, dirE, maskE, WqT, bq, WoT, bo, ln1g, ln1b, ln2g, ln2b,
          Wf1T, bf1, Wf2T, bf2, weC, beC, P):
    full = lambda i: (0, 0)
    return pl.pallas_call(
        _post_body,
        grid=(NBLK,),
        in_specs=[
            pl.BlockSpec((B, NB, D), lambda i: (0, i, 0)),
            pl.BlockSpec((DEG, NB, TW), lambda i: (0, i, 0)),
            pl.BlockSpec((DEG, NB, 1), lambda i: (0, i, 0)),
            pl.BlockSpec((DEG, NB, 1), lambda i: (0, i, 0)),
            pl.BlockSpec((D, D), full),
            pl.BlockSpec((1, D), full),
            pl.BlockSpec((D, D), full),
            pl.BlockSpec((1, D), full),
            pl.BlockSpec((1, D), full),
            pl.BlockSpec((1, D), full),
            pl.BlockSpec((1, D), full),
            pl.BlockSpec((1, D), full),
            pl.BlockSpec((D, 2 * D), full),
            pl.BlockSpec((1, 2 * D), full),
            pl.BlockSpec((2 * D, D), full),
            pl.BlockSpec((1, D), full),
            pl.BlockSpec((1, D), full),
            pl.BlockSpec((1, D), full),
            pl.BlockSpec((D, D), lambda i: (0, 0)),
        ],
        out_specs=pl.BlockSpec((B, NB, D), lambda i: (0, i, 0)),
        out_shape=jax.ShapeDtypeStruct((B, N, D), jnp.float32),
    )(x, g, dirE, maskE, WqT, bq, WoT, bo, ln1g, ln1b, ln2g, ln2b,
      Wf1T, bf1, Wf2T, bf2, weC, beC, P)


def kernel(x, incoming_idx, incoming_dir, incoming_mask,
           Wq, bq, Wk, bk, Wv, bv, We, be, Wo, bo,
           ln1_g, ln1_b, ln2_g, ln2_b, Wf1, bf1, Wf2, bf2):
    table = _build_table(x, Wk.T, bk[None, :], Wv.T, bv[None, :])

    idx_pad = jnp.pad(incoming_idx.T, ((0, 0), (0, NSLAB - N))).reshape(-1)
    g = _gather_rows(table, idx_pad)
    g3 = g.reshape(DEG, NSLAB, TW)

    dir3 = jnp.pad(incoming_dir[:, :, 0].T,
                   ((0, 0), (0, NSLAB - N))).reshape(DEG, NSLAB, 1)
    mask3 = jnp.pad(incoming_mask.T.astype(jnp.float32),
                    ((0, 0), (0, NSLAB - N))).reshape(DEG, NSLAB, 1)

    cols = jnp.arange(D, dtype=jnp.int32)
    P = (cols[:, None] // HD == cols[None, :] // HD).astype(jnp.float32)
    weC = jnp.repeat(We[:, 0], HD)[None, :]
    beC = jnp.repeat(be, HD)[None, :]

    return _post(x, g3, dir3, mask3, Wq.T, bq[None, :], Wo.T, bo[None, :],
                 ln1_g[None, :], ln1_b[None, :], ln2_g[None, :],
                 ln2_b[None, :], Wf1.T, bf1[None, :], Wf2.T, bf2[None, :],
                 weC, beC, P)

# --- scband reference (transcript-rebuilt; emitter-appended) ---
"""Pipeline reference for scband-grid-attention-layer-32933809226523 (READ-ONLY COPY).

The authoritative reference and input builder live on the scoring server;
editing this copy changes nothing except your own understanding.
"""

import jax, jax.numpy as jnp
import numpy as np

B, N, DEG, D, H = 2, 10000, 16, 128, 4
HD = D // H


def _layer_norm(x, g, b):
    m = jnp.mean(x, axis=-1, keepdims=True)
    v = jnp.mean((x - m) ** 2, axis=-1, keepdims=True)
    return (x - m) / jnp.sqrt(v + 1e-5) * g + b


def setup_inputs(seed: int = 0) -> dict:
    key = jax.random.key(seed)
    ks = jax.random.split(key, 24)
    s = 0.02
    inp = {}
    inp['x'] = jax.random.normal(ks[0], (B, N, D), dtype=jnp.float32)
    # grid-neighborhood buffers (module-level constants in the original code)
    inp['incoming_idx'] = jax.random.randint(ks[1], (N, DEG), 0, N, dtype=jnp.int32)
    inp['incoming_dir'] = jax.random.normal(ks[2], (N, DEG, 1), dtype=jnp.float32)
    inp['incoming_mask'] = jax.random.bernoulli(ks[3], 0.9, (N, DEG))
    # learned parameters (PyTorch Linear convention: W is [out, in], y = x @ W.T + b)
    inp['Wq'] = jax.random.normal(ks[4], (D, D), dtype=jnp.float32) * s
    inp['bq'] = jnp.zeros((D,), dtype=jnp.float32)
    inp['Wk'] = jax.random.normal(ks[5], (D, D), dtype=jnp.float32) * s
    inp['bk'] = jnp.zeros((D,), dtype=jnp.float32)
    inp['Wv'] = jax.random.normal(ks[6], (D, D), dtype=jnp.float32) * s
    inp['bv'] = jnp.zeros((D,), dtype=jnp.float32)
    inp['We'] = jax.random.normal(ks[7], (H, 1), dtype=jnp.float32) * s
    inp['be'] = jnp.zeros((H,), dtype=jnp.float32)
    inp['Wo'] = jax.random.normal(ks[8], (D, D), dtype=jnp.float32) * s
    inp['bo'] = jnp.zeros((D,), dtype=jnp.float32)
    inp['ln1_g'] = jnp.ones((D,), dtype=jnp.float32)
    inp['ln1_b'] = jnp.zeros((D,), dtype=jnp.float32)
    inp['ln2_g'] = jnp.ones((D,), dtype=jnp.float32)
    inp['ln2_b'] = jnp.zeros((D,), dtype=jnp.float32)
    inp['Wf1'] = jax.random.normal(ks[9], (2 * D, D), dtype=jnp.float32) * s
    inp['bf1'] = jnp.zeros((2 * D,), dtype=jnp.float32)
    inp['Wf2'] = jax.random.normal(ks[10], (D, 2 * D), dtype=jnp.float32) * s
    inp['bf2'] = jnp.zeros((D,), dtype=jnp.float32)
    return inp


def reference(x, incoming_idx, incoming_dir, incoming_mask,
              Wq, bq, Wk, bk, Wv, bv, We, be, Wo, bo,
              ln1_g, ln1_b, ln2_g, ln2_b, Wf1, bf1, Wf2, bf2):
    # gather neighbor features: [B, N, DEG, D]
    neighbor_x = jnp.take(x, incoming_idx, axis=1)
    q = (x @ Wq.T + bq).reshape(B, N, H, HD)
    k = (neighbor_x @ Wk.T + bk).reshape(B, N, DEG, H, HD)
    v = (neighbor_x @ Wv.T + bv).reshape(B, N, DEG, H, HD)
    logits = (q[:, :, None, :, :] * k).sum(axis=-1) / np.sqrt(HD)  # [B, N, DEG, H]
    edge = incoming_dir @ We.T + be  # [N, DEG, H]
    logits = logits + edge[None]
    mask = incoming_mask[None, :, :, None]  # [1, N, DEG, 1]
    logits = jnp.where(mask, logits, -1e9)
    attn = jax.nn.softmax(logits, axis=2) * mask
    agg = (attn[..., None] * v).sum(axis=2).reshape(B, N, D)
    h = _layer_norm(x + agg @ Wo.T + bo, ln1_g, ln1_b)
    ffn = jax.nn.relu(h @ Wf1.T + bf1) @ Wf2.T + bf2
    out = _layer_norm(h + ffn, ln2_g, ln2_b)
    return out

if __name__ == "__main__":
    import jax
    _d = setup_inputs()
    print(jax.jit(kernel)(*tuple(_d.values())))

</pallas_src>

<mosaic_0001>
#map = affine_map<(d0, d1) -> (0, 0)>
#map1 = affine_map<(d0, d1) -> (0)>
module attributes {stable_mosaic.version = 14 : i64} {
  func.func @_gather_body(%arg0: i32, %arg1: i32, %arg2: memref<10000x256xi32, #tpu.memory_space<hbm>>, %arg3: memref<163840xi32, #tpu.memory_space<hbm>>, %arg4: memref<163840x256xi32, #tpu.memory_space<hbm>>, %arg5: memref<5120xi32, #tpu.memory_space<vmem>>, %arg6: memref<2x128x256xi32, #tpu.memory_space<vmem>>, %arg7: memref<!tpu.dma_semaphore, #tpu.memory_space<semaphore_mem>>, %arg8: memref<!tpu.dma_semaphore, #tpu.memory_space<semaphore_mem>>) attributes {dimension_semantics = [#tpu.dimension_semantics<core_parallel>, #tpu.dimension_semantics<subcore_parallel>], iteration_bounds = array<i64: 2, 16>, scalar_prefetch = 0 : i64, scratch_operands = 4 : i64, tpu.core_type = #tpu.core_type<sc_vector_subcore>, window_params = [{transform_indices = #map}, {transform_indices = #map1}, {transform_indices = #map}]} {
    %mul3A = arith.constant 2 : i32
    %mul3A_0 = arith.muli %arg1, %mul3A : i32
    %add3A = arith.addi %mul3A_0, %arg0 : i32
    %mul3A_1 = arith.constant 5120 : i32
    %mul3A_2 = arith.muli %add3A, %mul3A_1 : i32
    "tpu.region"() ({
      %run_scoped3A = tpu.sem_alloc : memref<!tpu.dma_semaphore, #tpu.memory_space<semaphore_mem>>
      %dma_start3A_19 = tpu.memref_slice %arg3[%mul3A_2] : memref<163840xi32, #tpu.memory_space<hbm>> -> memref<5120xi32, #tpu.memory_space<hbm>>
      %dma_start3A_20 = tpu.memref_slice %arg3[%mul3A_2] : memref<163840xi32, #tpu.memory_space<hbm>> -> memref<5120xi32, #tpu.memory_space<hbm>>
      tpu.enqueue_dma source(%dma_start3A_20 : memref<5120xi32, #tpu.memory_space<hbm>>) target(%arg5 : memref<5120xi32, #tpu.memory_space<vmem>>) target_semaphore(%run_scoped3A : memref<!tpu.dma_semaphore, #tpu.memory_space<semaphore_mem>>)
      %dma_wait3A = tpu.memref_slice %arg3[%mul3A_2] : memref<163840xi32, #tpu.memory_space<hbm>> -> memref<5120xi32, #tpu.memory_space<hbm>>
      %dma_wait3A_21 = tpu.memref_slice %arg3[%mul3A_2] : memref<163840xi32, #tpu.memory_space<hbm>> -> memref<5120xi32, #tpu.memory_space<hbm>>
      tpu.wait_dma2 semaphore(%run_scoped3A : memref<!tpu.dma_semaphore, #tpu.memory_space<semaphore_mem>>) src(%dma_wait3A_21 : memref<5120xi32, #tpu.memory_space<hbm>>) dst(%arg5 : memref<5120xi32, #tpu.memory_space<vmem>>)
      tpu.yield
    }) : () -> ()
    %dma_start3A = arith.constant 0 : i32
    %dma_start3A_3 = arith.constant 0 : i32
    %dma_start3A_4 = arith.constant 0 : i32
    %dma_start3A_5 = tpu.memref_slice %arg6[%dma_start3A, %dma_start3A_3, %dma_start3A_4] : memref<2x128x256xi32, #tpu.memory_space<vmem>> -> memref<1x128x256xi32, #tpu.memory_space<vmem>>
    %dma_start3A_6 = tpu.memref_squeeze %dma_start3A_5 : memref<1x128x256xi32, #tpu.memory_space<vmem>> -> memref<128x256xi32, #tpu.memory_space<vmem>>
    %dma_start3A_7 = arith.constant 0 : i32
    %dma_start3A_8 = tpu.memref_slice %arg5[%dma_start3A_7] : memref<5120xi32, #tpu.memory_space<vmem>> -> memref<128xi32, #tpu.memory_space<vmem>>
    %dma_start3A_9 = arith.constant 0 : i32
    %dma_start3A_10 = arith.constant 0 : i32
    %dma_start3A_11 = tpu.memref_slice %arg2[%dma_start3A_9, %dma_start3A_10] : memref<10000x256xi32, #tpu.memory_space<hbm>> -> memref<10000x256xi32, #tpu.memory_space<hbm>>
    tpu.enqueue_indirect_dma source(%dma_start3A_11 : memref<10000x256xi32, #tpu.memory_space<hbm>>) target(%dma_start3A_6 : memref<128x256xi32, #tpu.memory_space<vmem>>) offsets(%dma_start3A_8 : memref<128xi32, #tpu.memory_space<vmem>>) semaphore(%arg7 : memref<!tpu.dma_semaphore, #tpu.memory_space<semaphore_mem>>)
    %scan3A = arith.constant 0 : i32
    %scan3A_12 = arith.constant 1 : i32
    %scan3A_13 = arith.constant 0 : i32
    %scan3A_14 = arith.constant 0 : i32
    %scan3A_15 = arith.constant 20 : i32
    %scan3A_16 = arith.addi %scan3A_14, %scan3A_15 : i32
    %scan3A_17 = arith.constant 1 : i32
    scf.for %scan3A_19 = %scan3A_14 to %scan3A_16 step %scan3A_17  : i32 {
      %mul3A_20 = arith.constant 2 : i32
      %mul3A_21 = arith.muli %scan3A_19, %mul3A_20 : i32
      %add3A_22 = arith.constant 1 : i32
      %add3A_23 = arith.addi %mul3A_21, %add3A_22 : i32
      %mul3A_24 = arith.constant 128 : i32
      %mul3A_25 = arith.muli %add3A_23, %mul3A_24 : i32
      %dma_start3A_26 = arith.constant 0 : i32
      %dma_start3A_27 = arith.constant 0 : i32
      %dma_start3A_28 = tpu.memref_slice %arg6[%scan3A_12, %dma_start3A_26, %dma_start3A_27] : memref<2x128x256xi32, #tpu.memory_space<vmem>> -> memref<1x128x256xi32, #tpu.memory_space<vmem>>
      %dma_start3A_29 = tpu.memref_squeeze %dma_start3A_28 : memref<1x128x256xi32, #tpu.memory_space<vmem>> -> memref<128x256xi32, #tpu.memory_space<vmem>>
      %dma_start3A_30 = tpu.memref_slice %arg5[%mul3A_25] : memref<5120xi32, #tpu.memory_space<vmem>> -> memref<128xi32, #tpu.memory_space<vmem>>
      %dma_start3A_31 = arith.constant 0 : i32
      %dma_start3A_32 = arith.constant 0 : i32
      %dma_start3A_33 = tpu.memref_slice %arg2[%dma_start3A_31, %dma_start3A_32] : memref<10000x256xi32, #tpu.memory_space<hbm>> -> memref<10000x256xi32, #tpu.memory_space<hbm>>
      tpu.enqueue_indirect_dma source(%dma_start3A_33 : memref<10000x256xi32, #tpu.memory_space<hbm>>) target(%dma_start3A_29 : memref<128x256xi32, #tpu.memory_space<vmem>>) offsets(%dma_start3A_30 : memref<128xi32, #tpu.memory_space<vmem>>) semaphore(%arg8 : memref<!tpu.dma_semaphore, #tpu.memory_space<semaphore_mem>>)
      %dma_wait3A = arith.constant 0 : i32
      %dma_wait3A_34 = arith.constant 0 : i32
      %dma_wait3A_35 = tpu.memref_slice %arg6[%scan3A_13, %dma_wait3A, %dma_wait3A_34] : memref<2x128x256xi32, #tpu.memory_space<vmem>> -> memref<1x128x256xi32, #tpu.memory_space<vmem>>
      %dma_wait3A_36 = tpu.memref_squeeze %dma_wait3A_35 : memref<1x128x256xi32, #tpu.memory_space<vmem>> -> memref<128x256xi32, #tpu.memory_space<vmem>>
      %dma_wait3A_37 = arith.constant 0 : i32
      %dma_wait3A_38 = tpu.memref_slice %arg5[%dma_wait3A_37] : memref<5120xi32, #tpu.memory_space<vmem>> -> memref<128xi32, #tpu.memory_space<vmem>>
      %dma_wait3A_39 = arith.constant 0 : i32
      %dma_wait3A_40 = arith.constant 0 : i32
      %dma_wait3A_41 = tpu.memref_slice %arg2[%dma_wait3A_39, %dma_wait3A_40] : memref<10000x256xi32, #tpu.memory_space<hbm>> -> memref<10000x256xi32, #tpu.memory_space<hbm>>
      tpu.wait_indirect_dma semaphore(%arg7 : memref<!tpu.dma_semaphore, #tpu.memory_space<semaphore_mem>>) src(%dma_wait3A_41 : memref<10000x256xi32, #tpu.memory_space<hbm>>) dst(%dma_wait3A_36 : memref<128x256xi32, #tpu.memory_space<vmem>>)
      %mul3A_42 = arith.constant 128 : i32
      %mul3A_43 = arith.muli %mul3A_21, %mul3A_42 : i32
      %add3A_44 = arith.addi %mul3A_2, %mul3A_43 : i32
      "tpu.region"() ({
        %run_scoped3A = tpu.sem_alloc : memref<!tpu.dma_semaphore, #tpu.memory_space<semaphore_mem>>
        %dma_start3A_61 = arith.constant 0 : i32
        %dma_start3A_62 = arith.constant 0 : i32
        %dma_start3A_63 = tpu.memref_slice %arg6[%scan3A_13, %dma_start3A_61, %dma_start3A_62] : memref<2x128x256xi32, #tpu.memory_space<vmem>> -> memref<1x128x256xi32, #tpu.memory_space<vmem>>
        %dma_start3A_64 = tpu.memref_squeeze %dma_start3A_63 : memref<1x128x256xi32, #tpu.memory_space<vmem>> -> memref<128x256xi32, #tpu.memory_space<vmem>>
        %dma_start3A_65 = arith.constant 0 : i32
        %dma_start3A_66 = tpu.memref_slice %arg4[%add3A_44, %dma_start3A_65] : memref<163840x256xi32, #tpu.memory_space<hbm>> -> memref<128x256xi32, #tpu.memory_space<hbm>>
        %dma_start3A_67 = arith.constant 0 : i32
        %dma_start3A_68 = tpu.memref_slice %arg4[%add3A_44, %dma_start3A_67] : memref<163840x256xi32, #tpu.memory_space<hbm>> -> memref<128x256xi32, #tpu.memory_space<hbm>>
        %dma_start3A_69 = arith.constant 0 : i32
        %dma_start3A_70 = arith.constant 0 : i32
        %dma_start3A_71 = tpu.memref_slice %arg6[%scan3A_13, %dma_start3A_69, %dma_start3A_70] : memref<2x128x256xi32, #tpu.memory_space<vmem>> -> memref<1x128x256xi32, #tpu.memory_space<vmem>>
        %dma_start3A_72 = tpu.memref_squeeze %dma_start3A_71 : memref<1x128x256xi32, #tpu.memory_space<vmem>> -> memref<128x256xi32, #tpu.memory_space<vmem>>
        tpu.enqueue_dma source(%dma_start3A_72 : memref<128x256xi32, #tpu.memory_space<vmem>>) target(%dma_start3A_68 : memref<128x256xi32, #tpu.memory_space<hbm>>) target_semaphore(%run_scoped3A : memref<!tpu.dma_semaphore, #tpu.memory_space<semaphore_mem>>)
        %dma_wait3A_73 = arith.constant 0 : i32
        %dma_wait3A_74 = arith.constant 0 : i32
        %dma_wait3A_75 = tpu.memref_slice %arg6[%scan3A_13, %dma_wait3A_73, %dma_wait3A_74] : memref<2x128x256xi32, #tpu.memory_space<vmem>> -> memref<1x128x256xi32, #tpu.memory_space<vmem>>
        %dma_wait3A_76 = tpu.memref_squeeze %dma_wait3A_75 : memref<1x128x256xi32, #tpu.memory_space<vmem>> -> memref<128x256xi32, #tpu.memory_space<vmem>>
        %dma_wait3A_77 = arith.constant 0 : i32
        %dma_wait3A_78 = tpu.memref_slice %arg4[%add3A_44, %dma_wait3A_77] : memref<163840x256xi32, #tpu.memory_space<hbm>> -> memref<128x256xi32, #tpu.memory_space<hbm>>
        %dma_wait3A_79 = arith.constant 0 : i32
        %dma_wait3A_80 = tpu.memref_slice %arg4[%add3A_44, %dma_wait3A_79] : memref<163840x256xi32, #tpu.memory_space<hbm>> -> memref<128x256xi32, #tpu.memory_space<hbm>>
        %dma_wait3A_81 = arith.constant 0 : i32
        %dma_wait3A_82 = arith.constant 0 : i32
        %dma_wait3A_83 = tpu.memref_slice %arg6[%scan3A_13, %dma_wait3A_81, %dma_wait3A_82] : memref<2x128x256xi32, #tpu.memory_space<vmem>> -> memref<1x128x256xi32, #tpu.memory_space<vmem>>
        %dma_wait3A_84 = tpu.memref_squeeze %dma_wait3A_83 : memref<1x128x256xi32, #tpu.memory_space<vmem>> -> memref<128x256xi32, #tpu.memory_space<vmem>>
        tpu.wait_dma2 semaphore(%run_scoped3A : memref<!tpu.dma_semaphore, #tpu.memory_space<semaphore_mem>>) src(%dma_wait3A_84 : memref<128x256xi32, #tpu.memory_space<vmem>>) dst(%dma_wait3A_80 : memref<128x256xi32, #tpu.memory_space<hbm>>)
        tpu.yield
      }) : () -> ()
      %lt3A = arith.constant 19 : i32
      %lt3A_45 = arith.cmpi slt, %scan3A_19, %lt3A : i32
      %convert_element_type3A = arith.extui %lt3A_45 : i1 to i32
      %cond3A = arith.constant 0 : i32
      %cond3A_46 = arith.cmpi ne, %convert_element_type3A, %cond3A : i32
      scf.if %cond3A_46 {
        %add3A_61 = arith.constant 2 : i32
        %add3A_62 = arith.addi %mul3A_21, %add3A_61 : i32
        %mul3A_63 = arith.constant 128 : i32
        %mul3A_64 = arith.muli %add3A_62, %mul3A_63 : i32
        %dma_start3A_65 = arith.constant 0 : i32
        %dma_start3A_66 = arith.constant 0 : i32
        %dma_start3A_67 = tpu.memref_slice %arg6[%scan3A_13, %dma_start3A_65, %dma_start3A_66] : memref<2x128x256xi32, #tpu.memory_space<vmem>> -> memref<1x128x256xi32, #tpu.memory_space<vmem>>
        %dma_start3A_68 = tpu.memref_squeeze %dma_start3A_67 : memref<1x128x256xi32, #tpu.memory_space<vmem>> -> memref<128x256xi32, #tpu.memory_space<vmem>>
        %dma_start3A_69 = tpu.memref_slice %arg5[%mul3A_64] : memref<5120xi32, #tpu.memory_space<vmem>> -> memref<128xi32, #tpu.memory_space<vmem>>
        %dma_start3A_70 = arith.constant 0 : i32
        %dma_start3A_71 = arith.constant 0 : i32
        %dma_start3A_72 = tpu.memref_slice %arg2[%dma_start3A_70, %dma_start3A_71] : memref<10000x256xi32, #tpu.memory_space<hbm>> -> memref<10000x256xi32, #tpu.memory_space<hbm>>
        tpu.enqueue_indirect_dma source(%dma_start3A_72 : memref<10000x256xi32, #tpu.memory_space<hbm>>) target(%dma_start3A_68 : memref<128x256xi32, #tpu.memory_space<vmem>>) offsets(%dma_start3A_69 : memref<128xi32, #tpu.memory_space<vmem>>) semaphore(%arg7 : memref<!tpu.dma_semaphore, #tpu.memory_space<semaphore_mem>>)
      } else {
      }
      %add3A_47 = arith.constant 1 : i32
      %add3A_48 = arith.addi %mul3A_21, %add3A_47 : i32
      %dma_wait3A_49 = arith.constant 0 : i32
      %dma_wait3A_50 = arith.constant 0 : i32
      %dma_wait3A_51 = tpu.memref_slice %arg6[%scan3A_12, %dma_wait3A_49, %dma_wait3A_50] : memref<2x128x256xi32, #tpu.memory_space<vmem>> -> memref<1x128x256xi32, #tpu.memory_space<vmem>>
      %dma_wait3A_52 = tpu.memref_squeeze %dma_wait3A_51 : memref<1x128x256xi32, #tpu.memory_space<vmem>> -> memref<128x256xi32, #tpu.memory_space<vmem>>
      %dma_wait3A_53 = arith.constant 0 : i32
      %dma_wait3A_54 = tpu.memref_slice %arg5[%dma_wait3A_53] : memref<5120xi32, #tpu.memory_space<vmem>> -> memref<128xi32, #tpu.memory_space<vmem>>
      %dma_wait3A_55 = arith.constant 0 : i32
      %dma_wait3A_56 = arith.constant 0 : i32
      %dma_wait3A_57 = tpu.memref_slice %arg2[%dma_wait3A_55, %dma_wait3A_56] : memref<10000x256xi32, #tpu.memory_space<hbm>> -> memref<10000x256xi32, #tpu.memory_space<hbm>>
      tpu.wait_indirect_dma semaphore(%arg8 : memref<!tpu.dma_semaphore, #tpu.memory_space<semaphore_mem>>) src(%dma_wait3A_57 : memref<10000x256xi32, #tpu.memory_space<hbm>>) dst(%dma_wait3A_52 : memref<128x256xi32, #tpu.memory_space<vmem>>)
      %mul3A_58 = arith.constant 128 : i32
      %mul3A_59 = arith.muli %add3A_48, %mul3A_58 : i32
      %add3A_60 = arith.addi %mul3A_2, %mul3A_59 : i32
      "tpu.region"() ({
        %run_scoped3A = tpu.sem_alloc : memref<!tpu.dma_semaphore, #tpu.memory_space<semaphore_mem>>
        %dma_start3A_61 = arith.constant 0 : i32
        %dma_start3A_62 = arith.constant 0 : i32
        %dma_start3A_63 = tpu.memref_slice %arg6[%scan3A_12, %dma_start3A_61, %dma_start3A_62] : memref<2x128x256xi32, #tpu.memory_space<vmem>> -> memref<1x128x256xi32, #tpu.memory_space<vmem>>
        %dma_start3A_64 = tpu.memref_squeeze %dma_start3A_63 : memref<1x128x256xi32, #tpu.memory_space<vmem>> -> memref<128x256xi32, #tpu.memory_space<vmem>>
        %dma_start3A_65 = arith.constant 0 : i32
        %dma_start3A_66 = tpu.memref_slice %arg4[%add3A_60, %dma_start3A_65] : memref<163840x256xi32, #tpu.memory_space<hbm>> -> memref<128x256xi32, #tpu.memory_space<hbm>>
        %dma_start3A_67 = arith.constant 0 : i32
        %dma_start3A_68 = tpu.memref_slice %arg4[%add3A_60, %dma_start3A_67] : memref<163840x256xi32, #tpu.memory_space<hbm>> -> memref<128x256xi32, #tpu.memory_space<hbm>>
        %dma_start3A_69 = arith.constant 0 : i32
        %dma_start3A_70 = arith.constant 0 : i32
        %dma_start3A_71 = tpu.memref_slice %arg6[%scan3A_12, %dma_start3A_69, %dma_start3A_70] : memref<2x128x256xi32, #tpu.memory_space<vmem>> -> memref<1x128x256xi32, #tpu.memory_space<vmem>>
        %dma_start3A_72 = tpu.memref_squeeze %dma_start3A_71 : memref<1x128x256xi32, #tpu.memory_space<vmem>> -> memref<128x256xi32, #tpu.memory_space<vmem>>
        tpu.enqueue_dma source(%dma_start3A_72 : memref<128x256xi32, #tpu.memory_space<vmem>>) target(%dma_start3A_68 : memref<128x256xi32, #tpu.memory_space<hbm>>) target_semaphore(%run_scoped3A : memref<!tpu.dma_semaphore, #tpu.memory_space<semaphore_mem>>)
        %dma_wait3A_73 = arith.constant 0 : i32
        %dma_wait3A_74 = arith.constant 0 : i32
        %dma_wait3A_75 = tpu.memref_slice %arg6[%scan3A_12, %dma_wait3A_73, %dma_wait3A_74] : memref<2x128x256xi32, #tpu.memory_space<vmem>> -> memref<1x128x256xi32, #tpu.memory_space<vmem>>
        %dma_wait3A_76 = tpu.memref_squeeze %dma_wait3A_75 : memref<1x128x256xi32, #tpu.memory_space<vmem>> -> memref<128x256xi32, #tpu.memory_space<vmem>>
        %dma_wait3A_77 = arith.constant 0 : i32
        %dma_wait3A_78 = tpu.memref_slice %arg4[%add3A_60, %dma_wait3A_77] : memref<163840x256xi32, #tpu.memory_space<hbm>> -> memref<128x256xi32, #tpu.memory_space<hbm>>
        %dma_wait3A_79 = arith.constant 0 : i32
        %dma_wait3A_80 = tpu.memref_slice %arg4[%add3A_60, %dma_wait3A_79] : memref<163840x256xi32, #tpu.memory_space<hbm>> -> memref<128x256xi32, #tpu.memory_space<hbm>>
        %dma_wait3A_81 = arith.constant 0 : i32
        %dma_wait3A_82 = arith.constant 0 : i32
        %dma_wait3A_83 = tpu.memref_slice %arg6[%scan3A_12, %dma_wait3A_81, %dma_wait3A_82] : memref<2x128x256xi32, #tpu.memory_space<vmem>> -> memref<1x128x256xi32, #tpu.memory_space<vmem>>
        %dma_wait3A_84 = tpu.memref_squeeze %dma_wait3A_83 : memref<1x128x256xi32, #tpu.memory_space<vmem>> -> memref<128x256xi32, #tpu.memory_space<vmem>>
        tpu.wait_dma2 semaphore(%run_scoped3A : memref<!tpu.dma_semaphore, #tpu.memory_space<semaphore_mem>>) src(%dma_wait3A_84 : memref<128x256xi32, #tpu.memory_space<vmem>>) dst(%dma_wait3A_80 : memref<128x256xi32, #tpu.memory_space<hbm>>)
        tpu.yield
      }) : () -> ()
    }
    %scan3A_18 = arith.constant 20 : i32
    return
  }
}

module attributes {stable_mosaic.version = 14 : i64} {
  func.func @_pre_body(%arg0: i32, %arg1: memref<2x2000x128xf32, #tpu.memory_space<vmem>>, %arg2: memref<128x128xf32, #tpu.memory_space<vmem>>, %arg3: memref<1x128xf32, #tpu.memory_space<vmem>>, %arg4: memref<128x128xf32, #tpu.memory_space<vmem>>, %arg5: memref<1x128xf32, #tpu.memory_space<vmem>>, %arg6: memref<2000x256xi32, #tpu.memory_space<vmem>>) attributes {dimension_semantics = [#tpu.dimension_semantics<arbitrary>], iteration_bounds = array<i64: 5>, scalar_prefetch = 0 : i64, scratch_operands = 0 : i64, tpu.core_type = #tpu.core_type<tc>, window_params = [{transform_indices = @transform_0, window_bounds = array<i64: 2, 2000, 128>}, {pipeline_mode = #tpu.pipeline_mode<synchronous>, transform_indices = @transform_1, window_bounds = array<i64: 128, 128>}, {pipeline_mode = #tpu.pipeline_mode<synchronous>, transform_indices = @transform_2, window_bounds = array<i64: 1, 128>}, {pipeline_mode = #tpu.pipeline_mode<synchronous>, transform_indices = @transform_3, window_bounds = array<i64: 128, 128>}, {pipeline_mode = #tpu.pipeline_mode<synchronous>, transform_indices = @transform_4, window_bounds = array<i64: 1, 128>}, {transform_indices = @transform_5, window_bounds = array<i64: 2000, 256>}]} {
    %get3A = arith.constant 0 : index
    %get3A_0 = arith.constant 0 : index
    %get3A_1 = vector.load %arg2[%get3A, %get3A_0] : memref<128x128xf32, #tpu.memory_space<vmem>>, vector<128x128xf32>
    %get3A_2 = arith.constant 0 : index
    %get3A_3 = arith.constant 0 : index
    %get3A_4 = vector.load %arg4[%get3A_2, %get3A_3] : memref<128x128xf32, #tpu.memory_space<vmem>>, vector<128x128xf32>
    %get3A_5 = arith.constant 0 : index
    %get3A_6 = arith.constant 0 : index
    %get3A_7 = arith.constant 0 : index
    %get3A_8 = vector.load %arg1[%get3A_5, %get3A_6, %get3A_7] : memref<2x2000x128xf32, #tpu.memory_space<vmem>>, vector<1x2000x128xf32>
    %get3A_9 = vector.shape_cast %get3A_8 : vector<1x2000x128xf32> to vector<2000x128xf32>
    %dot_general3A = arith.constant dense<0.000000e+00> : vector<2000x128xf32>
    %dot_general3A_10 = tpu.matmul %get3A_9, %get3A_1, %dot_general3A {dimension_numbers = #tpu.dot_dimension_numbers<[1], [0], [0], [1], [0, 0, 1, 1], [], []>, transpose_lhs_hint = false} : vector<2000x128xf32>, vector<128x128xf32>, vector<2000x128xf32> -> vector<2000x128xf32>
    %get3A_11 = arith.constant 0 : index
    %get3A_12 = arith.constant 0 : index
    %get3A_13 = vector.load %arg3[%get3A_11, %get3A_12] : memref<1x128xf32, #tpu.memory_space<vmem>>, vector<1x128xf32>
    %add3A = vector.broadcast %get3A_13 : vector<1x128xf32> to vector<2000x128xf32>
    %add3A_14 = arith.addf %dot_general3A_10, %add3A : vector<2000x128xf32>
    %bitcast_convert_type3A = tpu.bitcast %add3A_14 : vector<2000x128xf32> -> vector<2000x128xi32>
    %add3A_15 = arith.constant 32768 : i32
    %add3A_16 = vector.broadcast %add3A_15 : i32 to vector<2000x128xi32>
    %add3A_17 = arith.addi %bitcast_convert_type3A, %add3A_16 : vector<2000x128xi32>
    %shift_right_logical3A = arith.constant 16 : i32
    %shift_right_logical3A_18 = vector.broadcast %shift_right_logical3A : i32 to vector<2000x128xi32>
    %shift_right_logical3A_19 = arith.shrui %add3A_17, %shift_right_logical3A_18 : vector<2000x128xi32>
    %slice3A = vector.extract_strided_slice %shift_right_logical3A_19 {offsets = [0, 0], sizes = [2000, 64], strides = [1, 1]} : vector<2000x128xi32> to vector<2000x64xi32>
    %slice3A_20 = vector.extract_strided_slice %shift_right_logical3A_19 {offsets = [0, 64], sizes = [2000, 64], strides = [1, 1]} : vector<2000x128xi32> to vector<2000x64xi32>
    %shift_left3A = arith.constant 16 : i32
    %shift_left3A_21 = vector.broadcast %shift_left3A : i32 to vector<2000x64xi32>
    %shift_left3A_22 = arith.shli %slice3A_20, %shift_left3A_21 : vector<2000x64xi32>
    %or3A = arith.ori %slice3A, %shift_left3A_22 : vector<2000x64xi32>
    %bitcast_convert_type3A_23 = tpu.bitcast %or3A : vector<2000x64xi32> -> vector<2000x64xi32>
    %swap3A = arith.constant 0 : index
    %swap3A_24 = arith.constant 0 : index
    %swap3A_25 = vector.load %arg6[%swap3A, %swap3A_24] : memref<2000x256xi32, #tpu.memory_space<vmem>>, vector<2000x64xi32>
    tpu.vector_store %arg6[%swap3A, %swap3A_24], %bitcast_convert_type3A_23 {strides = array<i32>} : memref<2000x256xi32, #tpu.memory_space<vmem>>, vector<2000x64xi32>,
    %dot_general3A_26 = arith.constant dense<0.000000e+00> : vector<2000x128xf32>
    %dot_general3A_27 = tpu.matmul %get3A_9, %get3A_4, %dot_general3A_26 {dimension_numbers = #tpu.dot_dimension_numbers<[1], [0], [0], [1], [0, 0, 1, 1], [], []>, transpose_lhs_hint = false} : vector<2000x128xf32>, vector<128x128xf32>, vector<2000x128xf32> -> vector<2000x128xf32>
    %get3A_28 = arith.constant 0 : index
    %get3A_29 = arith.constant 0 : index
    %get3A_30 = vector.load %arg5[%get3A_28, %get3A_29] : memref<1x128xf32, #tpu.memory_space<vmem>>, vector<1x128xf32>
    %add3A_31 = vector.broadcast %get3A_30 : vector<1x128xf32> to vector<2000x128xf32>
    %add3A_32 = arith.addf %dot_general3A_27, %add3A_31 : vector<2000x128xf32>
    %bitcast_convert_type3A_33 = tpu.bitcast %add3A_32 : vector<2000x128xf32> -> vector<2000x128xi32>
    %add3A_34 = arith.constant 32768 : i32
    %add3A_35 = vector.broadcast %add3A_34 : i32 to vector<2000x128xi32>
    %add3A_36 = arith.addi %bitcast_convert_type3A_33, %add3A_35 : vector<2000x128xi32>
    %shift_right_logical3A_37 = arith.constant 16 : i32
    %shift_right_logical3A_38 = vector.broadcast %shift_right_logical3A_37 : i32 to vector<2000x128xi32>
    %shift_right_logical3A_39 = arith.shrui %add3A_36, %shift_right_logical3A_38 : vector<2000x128xi32>
    %slice3A_40 = vector.extract_strided_slice %shift_right_logical3A_39 {offsets = [0, 0], sizes = [2000, 64], strides = [1, 1]} : vector<2000x128xi32> to vector<2000x64xi32>
    %slice3A_41 = vector.extract_strided_slice %shift_right_logical3A_39 {offsets = [0, 64], sizes = [2000, 64], strides = [1, 1]} : vector<2000x128xi32> to vector<2000x64xi32>
    %shift_left3A_42 = arith.constant 16 : i32
    %shift_left3A_43 = vector.broadcast %shift_left3A_42 : i32 to vector<2000x64xi32>
    %shift_left3A_44 = arith.shli %slice3A_41, %shift_left3A_43 : vector<2000x64xi32>
    %or3A_45 = arith.ori %slice3A_40, %shift_left3A_44 : vector<2000x64xi32>
    %bitcast_convert_type3A_46 = tpu.bitcast %or3A_45 : vector<2000x64xi32> -> vector<2000x64xi32>
    %swap3A_47 = arith.constant 0 : index
    %swap3A_48 = arith.constant 128 : index
    %swap3A_49 = vector.load %arg6[%swap3A_47, %swap3A_48] : memref<2000x256xi32, #tpu.memory_space<vmem>>, vector<2000x64xi32>
    tpu.vector_store %arg6[%swap3A_47, %swap3A_48], %bitcast_convert_type3A_46 {strides = array<i32>} : memref<2000x256xi32, #tpu.memory_space<vmem>>, vector<2000x64xi32>,
    %get3A_50 = arith.constant 1 : index
    %get3A_51 = arith.constant 0 : index
    %get3A_52 = arith.constant 0 : index
    %get3A_53 = vector.load %arg1[%get3A_50, %get3A_51, %get3A_52] : memref<2x2000x128xf32, #tpu.memory_space<vmem>>, vector<1x2000x128xf32>
    %get3A_54 = vector.shape_cast %get3A_53 : vector<1x2000x128xf32> to vector<2000x128xf32>
    %dot_general3A_55 = arith.constant dense<0.000000e+00> : vector<2000x128xf32>
    %dot_general3A_56 = tpu.matmul %get3A_54, %get3A_1, %dot_general3A_55 {dimension_numbers = #tpu.dot_dimension_numbers<[1], [0], [0], [1], [0, 0, 1, 1], [], []>, transpose_lhs_hint = false} : vector<2000x128xf32>, vector<128x128xf32>, vector<2000x128xf32> -> vector<2000x128xf32>
    %get3A_57 = arith.constant 0 : index
    %get3A_58 = arith.constant 0 : index
    %get3A_59 = vector.load %arg3[%get3A_57, %get3A_58] : memref<1x128xf32, #tpu.memory_space<vmem>>, vector<1x128xf32>
    %add3A_60 = vector.broadcast %get3A_59 : vector<1x128xf32> to vector<2000x128xf32>
    %add3A_61 = arith.addf %dot_general3A_56, %add3A_60 : vector<2000x128xf32>
    %bitcast_convert_type3A_62 = tpu.bitcast %add3A_61 : vector<2000x128xf32> -> vector<2000x128xi32>
    %add3A_63 = arith.constant 32768 : i32
    %add3A_64 = vector.broadcast %add3A_63 : i32 to vector<2000x128xi32>
    %add3A_65 = arith.addi %bitcast_convert_type3A_62, %add3A_64 : vector<2000x128xi32>
    %shift_right_logical3A_66 = arith.constant 16 : i32
    %shift_right_logical3A_67 = vector.broadcast %shift_right_logical3A_66 : i32 to vector<2000x128xi32>
    %shift_right_logical3A_68 = arith.shrui %add3A_65, %shift_right_logical3A_67 : vector<2000x128xi32>
    %slice3A_69 = vector.extract_strided_slice %shift_right_logical3A_68 {offsets = [0, 0], sizes = [2000, 64], strides = [1, 1]} : vector<2000x128xi32> to vector<2000x64xi32>
    %slice3A_70 = vector.extract_strided_slice %shift_right_logical3A_68 {offsets = [0, 64], sizes = [2000, 64], strides = [1, 1]} : vector<2000x128xi32> to vector<2000x64xi32>
    %shift_left3A_71 = arith.constant 16 : i32
    %shift_left3A_72 = vector.broadcast %shift_left3A_71 : i32 to vector<2000x64xi32>
    %shift_left3A_73 = arith.shli %slice3A_70, %shift_left3A_72 : vector<2000x64xi32>
    %or3A_74 = arith.ori %slice3A_69, %shift_left3A_73 : vector<2000x64xi32>
    %bitcast_convert_type3A_75 = tpu.bitcast %or3A_74 : vector<2000x64xi32> -> vector<2000x64xi32>
    %swap3A_76 = arith.constant 0 : index
    %swap3A_77 = arith.constant 64 : index
    %swap3A_78 = vector.load %arg6[%swap3A_76, %swap3A_77] : memref<2000x256xi32, #tpu.memory_space<vmem>>, vector<2000x64xi32>
    tpu.vector_store %arg6[%swap3A_76, %swap3A_77], %bitcast_convert_type3A_75 {strides = array<i32>} : memref<2000x256xi32, #tpu.memory_space<vmem>>, vector<2000x64xi32>,
    %dot_general3A_79 = arith.constant dense<0.000000e+00> : vector<2000x128xf32>
    %dot_general3A_80 = tpu.matmul %get3A_54, %get3A_4, %dot_general3A_79 {dimension_numbers = #tpu.dot_dimension_numbers<[1], [0], [0], [1], [0, 0, 1, 1], [], []>, transpose_lhs_hint = false} : vector<2000x128xf32>, vector<128x128xf32>, vector<2000x128xf32> -> vector<2000x128xf32>
    %get3A_81 = arith.constant 0 : index
    %get3A_82 = arith.constant 0 : index
    %get3A_83 = vector.load %arg5[%get3A_81, %get3A_82] : memref<1x128xf32, #tpu.memory_space<vmem>>, vector<1x128xf32>
    %add3A_84 = vector.broadcast %get3A_83 : vector<1x128xf32> to vector<2000x128xf32>
    %add3A_85 = arith.addf %dot_general3A_80, %add3A_84 : vector<2000x128xf32>
    %bitcast_convert_type3A_86 = tpu.bitcast %add3A_85 : vector<2000x128xf32> -> vector<2000x128xi32>
    %add3A_87 = arith.constant 32768 : i32
    %add3A_88 = vector.broadcast %add3A_87 : i32 to vector<2000x128xi32>
    %add3A_89 = arith.addi %bitcast_convert_type3A_86, %add3A_88 : vector<2000x128xi32>
    %shift_right_logical3A_90 = arith.constant 16 : i32
    %shift_right_logical3A_91 = vector.broadcast %shift_right_logical3A_90 : i32 to vector<2000x128xi32>
    %shift_right_logical3A_92 = arith.shrui %add3A_89, %shift_right_logical3A_91 : vector<2000x128xi32>
    %slice3A_93 = vector.extract_strided_slice %shift_right_logical3A_92 {offsets = [0, 0], sizes = [2000, 64], strides = [1, 1]} : vector<2000x128xi32> to vector<2000x64xi32>
    %slice3A_94 = vector.extract_strided_slice %shift_right_logical3A_92 {offsets = [0, 64], sizes = [2000, 64], strides = [1, 1]} : vector<2000x128xi32> to vector<2000x64xi32>
    %shift_left3A_95 = arith.constant 16 : i32
    %shift_left3A_96 = vector.broadcast %shift_left3A_95 : i32 to vector<2000x64xi32>
    %shift_left3A_97 = arith.shli %slice3A_94, %shift_left3A_96 : vector<2000x64xi32>
    %or3A_98 = arith.ori %slice3A_93, %shift_left3A_97 : vector<2000x64xi32>
    %bitcast_convert_type3A_99 = tpu.bitcast %or3A_98 : vector<2000x64xi32> -> vector<2000x64xi32>
    %swap3A_100 = arith.constant 0 : index
    %swap3A_101 = arith.constant 192 : index
    %swap3A_102 = vector.load %arg6[%swap3A_100, %swap3A_101] : memref<2000x256xi32, #tpu.memory_space<vmem>>, vector<2000x64xi32>
    tpu.vector_store %arg6[%swap3A_100, %swap3A_101], %bitcast_convert_type3A_99 {strides = array<i32>} : memref<2000x256xi32, #tpu.memory_space<vmem>>, vector<2000x64xi32>,
    return
  }
  func.func @transform_0(%arg0: i32) -> (i32, i32, i32) {
    %c0_i32 = arith.constant 0 : i32
    %c0_i32_0 = arith.constant 0 : i32
    %c0_i32_1 = arith.constant 0 : i32
    return %c0_i32, %arg0, %c0_i32_0 : i32, i32, i32
  }
  func.func @transform_1(%arg0: i32) -> (i32, i32) {
    %c0_i32 = arith.constant 0 : i32
    %c0_i32_0 = arith.constant 0 : i32
    %c0_i32_1 = arith.constant 0 : i32
    return %c0_i32, %c0_i32_0 : i32, i32
  }
  func.func @transform_2(%arg0: i32) -> (i32, i32) {
    %c0_i32 = arith.constant 0 : i32
    %c0_i32_0 = arith.constant 0 : i32
    %c0_i32_1 = arith.constant 0 : i32
    return %c0_i32, %c0_i32_0 : i32, i32
  }
  func.func @transform_3(%arg0: i32) -> (i32, i32) {
    %c0_i32 = arith.constant 0 : i32
    %c0_i32_0 = arith.constant 0 : i32
    %c0_i32_1 = arith.constant 0 : i32
    return %c0_i32, %c0_i32_0 : i32, i32
  }
  func.func @transform_4(%arg0: i32) -> (i32, i32) {
    %c0_i32 = arith.constant 0 : i32
    %c0_i32_0 = arith.constant 0 : i32
    %c0_i32_1 = arith.constant 0 : i32
    return %c0_i32, %c0_i32_0 : i32, i32
  }
  func.func @transform_5(%arg0: i32) -> (i32, i32) {
    %c0_i32 = arith.constant 0 : i32
    %c0_i32_0 = arith.constant 0 : i32
    return %arg0, %c0_i32 : i32, i32
  }
}

module attributes {stable_mosaic.version = 14 : i64} {
  func.func @_post_body(%arg0: i32, %arg1: memref<2x200x128xf32, #tpu.memory_space<vmem>>, %arg2: memref<16x200x256xi32, #tpu.memory_space<vmem>>, %arg3: memref<16x200x1xf32, #tpu.memory_space<vmem>>, %arg4: memref<16x200x1xf32, #tpu.memory_space<vmem>>, %arg5: memref<128x128xf32, #tpu.memory_space<vmem>>, %arg6: memref<1x128xf32, #tpu.memory_space<vmem>>, %arg7: memref<128x128xf32, #tpu.memory_space<vmem>>, %arg8: memref<1x128xf32, #tpu.memory_space<vmem>>, %arg9: memref<1x128xf32, #tpu.memory_space<vmem>>, %arg10: memref<1x128xf32, #tpu.memory_space<vmem>>, %arg11: memref<1x128xf32, #tpu.memory_space<vmem>>, %arg12: memref<1x128xf32, #tpu.memory_space<vmem>>, %arg13: memref<128x256xf32, #tpu.memory_space<vmem>>, %arg14: memref<1x256xf32, #tpu.memory_space<vmem>>, %arg15: memref<256x128xf32, #tpu.memory_space<vmem>>, %arg16: memref<1x128xf32, #tpu.memory_space<vmem>>, %arg17: memref<1x128xf32, #tpu.memory_space<vmem>>, %arg18: memref<1x128xf32, #tpu.memory_space<vmem>>, %arg19: memref<128x128xf32, #tpu.memory_space<vmem>>, %arg20: memref<2x200x128xf32, #tpu.memory_space<vmem>>) attributes {dimension_semantics = [#tpu.dimension_semantics<arbitrary>], iteration_bounds = array<i64: 50>, scalar_prefetch = 0 : i64, scratch_operands = 0 : i64, tpu.core_type = #tpu.core_type<tc>, window_params = [{transform_indices = @transform_0, window_bounds = array<i64: 2, 200, 128>}, {transform_indices = @transform_1, window_bounds = array<i64: 16, 200, 256>}, {transform_indices = @transform_2, window_bounds = array<i64: 16, 200, 1>}, {transform_indices = @transform_3, window_bounds = array<i64: 16, 200, 1>}, {pipeline_mode = #tpu.pipeline_mode<synchronous>, transform_indices = @transform_4, window_bounds = array<i64: 128, 128>}, {pipeline_mode = #tpu.pipeline_mode<synchronous>, transform_indices = @transform_5, window_bounds = array<i64: 1, 128>}, {pipeline_mode = #tpu.pipeline_mode<synchronous>, transform_indices = @transform_6, window_bounds = array<i64: 128, 128>}, {pipeline_mode = #tpu.pipeline_mode<synchronous>, transform_indices = @transform_7, window_bounds = array<i64: 1, 128>}, {pipeline_mode = #tpu.pipeline_mode<synchronous>, transform_indices = @transform_8, window_bounds = array<i64: 1, 128>}, {pipeline_mode = #tpu.pipeline_mode<synchronous>, transform_indices = @transform_9, window_bounds = array<i64: 1, 128>}, {pipeline_mode = #tpu.pipeline_mode<synchronous>, transform_indices = @transform_10, window_bounds = array<i64: 1, 128>}, {pipeline_mode = #tpu.pipeline_mode<synchronous>, transform_indices = @transform_11, window_bounds = array<i64: 1, 128>}, {pipeline_mode = #tpu.pipeline_mode<synchronous>, transform_indices = @transform_12, window_bounds = array<i64: 128, 256>}, {pipeline_mode = #tpu.pipeline_mode<synchronous>, transform_indices = @transform_13, window_bounds = array<i64: 1, 256>}, {pipeline_mode = #tpu.pipeline_mode<synchronous>, transform_indices = @transform_14, window_bounds = array<i64: 256, 128>}, {pipeline_mode = #tpu.pipeline_mode<synchronous>, transform_indices = @transform_15, window_bounds = array<i64: 1, 128>}, {pipeline_mode = #tpu.pipeline_mode<synchronous>, transform_indices = @transform_16, window_bounds = array<i64: 1, 128>}, {pipeline_mode = #tpu.pipeline_mode<synchronous>, transform_indices = @transform_17, window_bounds = array<i64: 1, 128>}, {pipeline_mode = #tpu.pipeline_mode<synchronous>, transform_indices = @transform_18, window_bounds = array<i64: 128, 128>}, {transform_indices = @transform_19, window_bounds = array<i64: 2, 200, 128>}]} {
    %get3A = arith.constant 0 : index
    %get3A_0 = arith.constant 0 : index
    %get3A_1 = vector.load %arg19[%get3A, %get3A_0] : memref<128x128xf32, #tpu.memory_space<vmem>>, vector<128x128xf32>
    %slice3A = vector.extract_strided_slice %get3A_1 {offsets = [0, 0], sizes = [64, 128], strides = [1, 1]} : vector<128x128xf32> to vector<64x128xf32>
    %slice3A_2 = vector.extract_strided_slice %get3A_1 {offsets = [64, 0], sizes = [64, 128], strides = [1, 1]} : vector<128x128xf32> to vector<64x128xf32>
    %get3A_3 = arith.constant 0 : index
    %get3A_4 = arith.constant 0 : index
    %get3A_5 = vector.load %arg7[%get3A_3, %get3A_4] : memref<128x128xf32, #tpu.memory_space<vmem>>, vector<128x128xf32>
    %get3A_6 = arith.constant 0 : index
    %get3A_7 = arith.constant 0 : index
    %get3A_8 = arith.constant 0 : index
    %get3A_9 = vector.load %arg3[%get3A_6, %get3A_7, %get3A_8] : memref<16x200x1xf32, #tpu.memory_space<vmem>>, vector<16x200x1xf32>
    %reshape3A = vector.shape_cast %get3A_9 : vector<16x200x1xf32> to vector<3200x1xf32>
    %get3A_10 = arith.constant 0 : index
    %get3A_11 = arith.constant 0 : index
    %get3A_12 = arith.constant 0 : index
    %get3A_13 = vector.load %arg4[%get3A_10, %get3A_11, %get3A_12] : memref<16x200x1xf32, #tpu.memory_space<vmem>>, vector<16x200x1xf32>
    %reshape3A_14 = vector.shape_cast %get3A_13 : vector<16x200x1xf32> to vector<3200x1xf32>
    %gt3A = arith.constant 5.000000e-01 : f32
    %gt3A_15 = vector.broadcast %gt3A : f32 to vector<3200x1xf32>
    %gt3A_16 = arith.cmpf ogt, %reshape3A_14, %gt3A_15 : vector<3200x1xf32>
    %get3A_17 = arith.constant 0 : index
    %get3A_18 = arith.constant 0 : index
    %get3A_19 = vector.load %arg17[%get3A_17, %get3A_18] : memref<1x128xf32, #tpu.memory_space<vmem>>, vector<1x128xf32>
    %mul3A = vector.broadcast %reshape3A : vector<3200x1xf32> to vector<3200x128xf32>
    %mul3A_20 = vector.broadcast %get3A_19 : vector<1x128xf32> to vector<3200x128xf32>
    %mul3A_21 = arith.mulf %mul3A, %mul3A_20 : vector<3200x128xf32>
    %get3A_22 = arith.constant 0 : index
    %get3A_23 = arith.constant 0 : index
    %get3A_24 = vector.load %arg18[%get3A_22, %get3A_23] : memref<1x128xf32, #tpu.memory_space<vmem>>, vector<1x128xf32>
    %add3A = vector.broadcast %get3A_24 : vector<1x128xf32> to vector<3200x128xf32>
    %add3A_25 = arith.addf %mul3A_21, %add3A : vector<3200x128xf32>
    %jit3A = arith.constant -1.000000e+09 : f32
    %broadcast_in_dim3A = vector.shape_cast %gt3A_16 : vector<3200x1xi1> to vector<3200x1xi1>
    %broadcast_in_dim3A_26 = vector.broadcast %broadcast_in_dim3A : vector<3200x1xi1> to vector<3200x128xi1>
    %broadcast_in_dim3A_27 = vector.broadcast %jit3A : f32 to vector<3200x128xf32>
    %select_n3A = arith.select %broadcast_in_dim3A_26, %add3A_25, %broadcast_in_dim3A_27 : vector<3200x128xi1>, vector<3200x128xf32>
    %get3A_28 = arith.constant 0 : index
    %get3A_29 = arith.constant 0 : index
    %get3A_30 = vector.load %arg5[%get3A_28, %get3A_29] : memref<128x128xf32, #tpu.memory_space<vmem>>, vector<128x128xf32>
    %get3A_31 = arith.constant 0 : index
    %get3A_32 = arith.constant 0 : index
    %get3A_33 = arith.constant 0 : index
    %get3A_34 = vector.load %arg2[%get3A_31, %get3A_32, %get3A_33] : memref<16x200x256xi32, #tpu.memory_space<vmem>>, vector<16x200x256xi32>
    %reshape3A_35 = vector.shape_cast %get3A_34 : vector<16x200x256xi32> to vector<3200x256xi32>
    %get3A_36 = arith.constant 0 : index
    %get3A_37 = arith.constant 0 : index
    %get3A_38 = arith.constant 0 : index
    %get3A_39 = vector.load %arg1[%get3A_36, %get3A_37, %get3A_38] : memref<2x200x128xf32, #tpu.memory_space<vmem>>, vector<1x200x128xf32>
    %get3A_40 = vector.shape_cast %get3A_39 : vector<1x200x128xf32> to vector<200x128xf32>
    %dot_general3A = arith.constant dense<0.000000e+00> : vector<200x128xf32>
    %dot_general3A_41 = tpu.matmul %get3A_40, %get3A_30, %dot_general3A {dimension_numbers = #tpu.dot_dimension_numbers<[1], [0], [0], [1], [0, 0, 1, 1], [], []>, transpose_lhs_hint = false} : vector<200x128xf32>, vector<128x128xf32>, vector<200x128xf32> -> vector<200x128xf32>
    %get3A_42 = arith.constant 0 : index
    %get3A_43 = arith.constant 0 : index
    %get3A_44 = vector.load %arg6[%get3A_42, %get3A_43] : memref<1x128xf32, #tpu.memory_space<vmem>>, vector<1x128xf32>
    %add3A_45 = vector.broadcast %get3A_44 : vector<1x128xf32> to vector<200x128xf32>
    %add3A_46 = arith.addf %dot_general3A_41, %add3A_45 : vector<200x128xf32>
    %mul3A_47 = arith.constant 0.176776692 : f32
    %mul3A_48 = vector.broadcast %mul3A_47 : f32 to vector<200x128xf32>
    %mul3A_49 = arith.mulf %add3A_46, %mul3A_48 : vector<200x128xf32>
    %slice3A_50 = vector.extract_strided_slice %mul3A_49 {offsets = [0, 0], sizes = [200, 64], strides = [1, 1]} : vector<200x128xf32> to vector<200x64xf32>
    %slice3A_51 = vector.extract_strided_slice %mul3A_49 {offsets = [0, 64], sizes = [200, 64], strides = [1, 1]} : vector<200x128xf32> to vector<200x64xf32>
    %slice3A_52 = vector.extract_strided_slice %reshape3A_35 {offsets = [0, 0], sizes = [3200, 64], strides = [1, 1]} : vector<3200x256xi32> to vector<3200x64xi32>
    %bitcast_convert_type3A = tpu.bitcast %slice3A_52 : vector<3200x64xi32> -> vector<3200x64xi32>
    %shift_left3A = arith.constant 16 : i32
    %shift_left3A_53 = vector.broadcast %shift_left3A : i32 to vector<3200x64xi32>
    %shift_left3A_54 = arith.shli %bitcast_convert_type3A, %shift_left3A_53 : vector<3200x64xi32>
    %bitcast_convert_type3A_55 = tpu.bitcast %shift_left3A_54 : vector<3200x64xi32> -> vector<3200x64xf32>
    %and3A = arith.constant -65536 : i32
    %and3A_56 = vector.broadcast %and3A : i32 to vector<3200x64xi32>
    %and3A_57 = arith.andi %bitcast_convert_type3A, %and3A_56 : vector<3200x64xi32>
    %bitcast_convert_type3A_58 = tpu.bitcast %and3A_57 : vector<3200x64xi32> -> vector<3200x64xf32>
    %reshape3A_59 = vector.shape_cast %bitcast_convert_type3A_55 : vector<3200x64xf32> to vector<16x200x64xf32>
    %broadcast_in_dim3A_60 = vector.shape_cast %slice3A_50 : vector<200x64xf32> to vector<1x200x64xf32>
    %mul3A_61 = vector.broadcast %broadcast_in_dim3A_60 : vector<1x200x64xf32> to vector<16x200x64xf32>
    %mul3A_62 = arith.mulf %reshape3A_59, %mul3A_61 : vector<16x200x64xf32>
    %reshape3A_63 = vector.shape_cast %mul3A_62 : vector<16x200x64xf32> to vector<3200x64xf32>
    %reshape3A_64 = vector.shape_cast %bitcast_convert_type3A_58 : vector<3200x64xf32> to vector<16x200x64xf32>
    %broadcast_in_dim3A_65 = vector.shape_cast %slice3A_51 : vector<200x64xf32> to vector<1x200x64xf32>
    %mul3A_66 = vector.broadcast %broadcast_in_dim3A_65 : vector<1x200x64xf32> to vector<16x200x64xf32>
    %mul3A_67 = arith.mulf %reshape3A_64, %mul3A_66 : vector<16x200x64xf32>
    %reshape3A_68 = vector.shape_cast %mul3A_67 : vector<16x200x64xf32> to vector<3200x64xf32>
    %dot_general3A_69 = arith.constant dense<0.000000e+00> : vector<3200x128xf32>
    %dot_general3A_70 = tpu.matmul %reshape3A_63, %slice3A, %dot_general3A_69 {dimension_numbers = #tpu.dot_dimension_numbers<[1], [0], [0], [1], [0, 0, 1, 1], [], []>, transpose_lhs_hint = false} : vector<3200x64xf32>, vector<64x128xf32>, vector<3200x128xf32> -> vector<3200x128xf32>
    %dot_general3A_71 = arith.constant dense<0.000000e+00> : vector<3200x128xf32>
    %dot_general3A_72 = tpu.matmul %reshape3A_68, %slice3A_2, %dot_general3A_71 {dimension_numbers = #tpu.dot_dimension_numbers<[1], [0], [0], [1], [0, 0, 1, 1], [], []>, transpose_lhs_hint = false} : vector<3200x64xf32>, vector<64x128xf32>, vector<3200x128xf32> -> vector<3200x128xf32>
    %add3A_73 = arith.addf %dot_general3A_70, %dot_general3A_72 : vector<3200x128xf32>
    %add3A_74 = arith.addf %add3A_73, %select_n3A : vector<3200x128xf32>
    %exp3A = math.exp %add3A_74 : vector<3200x128xf32>
    %slice3A_75 = vector.extract_strided_slice %reshape3A_35 {offsets = [0, 128], sizes = [3200, 64], strides = [1, 1]} : vector<3200x256xi32> to vector<3200x64xi32>
    %bitcast_convert_type3A_76 = tpu.bitcast %slice3A_75 : vector<3200x64xi32> -> vector<3200x64xi32>
    %shift_left3A_77 = arith.constant 16 : i32
    %shift_left3A_78 = vector.broadcast %shift_left3A_77 : i32 to vector<3200x64xi32>
    %shift_left3A_79 = arith.shli %bitcast_convert_type3A_76, %shift_left3A_78 : vector<3200x64xi32>
    %bitcast_convert_type3A_80 = tpu.bitcast %shift_left3A_79 : vector<3200x64xi32> -> vector<3200x64xf32>
    %and3A_81 = arith.constant -65536 : i32
    %and3A_82 = vector.broadcast %and3A_81 : i32 to vector<3200x64xi32>
    %and3A_83 = arith.andi %bitcast_convert_type3A_76, %and3A_82 : vector<3200x64xi32>
    %bitcast_convert_type3A_84 = tpu.bitcast %and3A_83 : vector<3200x64xi32> -> vector<3200x64xf32>
    %slice3A_85 = vector.extract_strided_slice %exp3A {offsets = [0, 0], sizes = [3200, 64], strides = [1, 1]} : vector<3200x128xf32> to vector<3200x64xf32>
    %mul3A_86 = arith.mulf %slice3A_85, %bitcast_convert_type3A_80 : vector<3200x64xf32>
    %slice3A_87 = vector.extract_strided_slice %exp3A {offsets = [0, 64], sizes = [3200, 64], strides = [1, 1]} : vector<3200x128xf32> to vector<3200x64xf32>
    %mul3A_88 = arith.mulf %slice3A_87, %bitcast_convert_type3A_84 : vector<3200x64xf32>
    %slice3A_89 = vector.extract_strided_slice %exp3A {offsets = [0, 0], sizes = [200, 128], strides = [1, 1]} : vector<3200x128xf32> to vector<200x128xf32>
    %slice3A_90 = vector.extract_strided_slice %exp3A {offsets = [200, 0], sizes = [200, 128], strides = [1, 1]} : vector<3200x128xf32> to vector<200x128xf32>
    %slice3A_91 = vector.extract_strided_slice %exp3A {offsets = [400, 0], sizes = [200, 128], strides = [1, 1]} : vector<3200x128xf32> to vector<200x128xf32>
    %slice3A_92 = vector.extract_strided_slice %exp3A {offsets = [600, 0], sizes = [200, 128], strides = [1, 1]} : vector<3200x128xf32> to vector<200x128xf32>
    %slice3A_93 = vector.extract_strided_slice %exp3A {offsets = [800, 0], sizes = [200, 128], strides = [1, 1]} : vector<3200x128xf32> to vector<200x128xf32>
    %slice3A_94 = vector.extract_strided_slice %exp3A {offsets = [1000, 0], sizes = [200, 128], strides = [1, 1]} : vector<3200x128xf32> to vector<200x128xf32>
    %slice3A_95 = vector.extract_strided_slice %exp3A {offsets = [1200, 0], sizes = [200, 128], strides = [1, 1]} : vector<3200x128xf32> to vector<200x128xf32>
    %slice3A_96 = vector.extract_strided_slice %exp3A {offsets = [1400, 0], sizes = [200, 128], strides = [1, 1]} : vector<3200x128xf32> to vector<200x128xf32>
    %slice3A_97 = vector.extract_strided_slice %exp3A {offsets = [1600, 0], sizes = [200, 128], strides = [1, 1]} : vector<3200x128xf32> to vector<200x128xf32>
    %slice3A_98 = vector.extract_strided_slice %exp3A {offsets = [1800, 0], sizes = [200, 128], strides = [1, 1]} : vector<3200x128xf32> to vector<200x128xf32>
    %slice3A_99 = vector.extract_strided_slice %exp3A {offsets = [2000, 0], sizes = [200, 128], strides = [1, 1]} : vector<3200x128xf32> to vector<200x128xf32>
    %slice3A_100 = vector.extract_strided_slice %exp3A {offsets = [2200, 0], sizes = [200, 128], strides = [1, 1]} : vector<3200x128xf32> to vector<200x128xf32>
    %slice3A_101 = vector.extract_strided_slice %exp3A {offsets = [2400, 0], sizes = [200, 128], strides = [1, 1]} : vector<3200x128xf32> to vector<200x128xf32>
    %slice3A_102 = vector.extract_strided_slice %exp3A {offsets = [2600, 0], sizes = [200, 128], strides = [1, 1]} : vector<3200x128xf32> to vector<200x128xf32>
    %slice3A_103 = vector.extract_strided_slice %exp3A {offsets = [2800, 0], sizes = [200, 128], strides = [1, 1]} : vector<3200x128xf32> to vector<200x128xf32>
    %slice3A_104 = vector.extract_strided_slice %exp3A {offsets = [3000, 0], sizes = [200, 128], strides = [1, 1]} : vector<3200x128xf32> to vector<200x128xf32>
    %add3A_105 = arith.addf %slice3A_89, %slice3A_90 : vector<200x128xf32>
    %add3A_106 = arith.addf %slice3A_91, %slice3A_92 : vector<200x128xf32>
    %add3A_107 = arith.addf %slice3A_93, %slice3A_94 : vector<200x128xf32>
    %add3A_108 = arith.addf %slice3A_95, %slice3A_96 : vector<200x128xf32>
    %add3A_109 = arith.addf %slice3A_97, %slice3A_98 : vector<200x128xf32>
    %add3A_110 = arith.addf %slice3A_99, %slice3A_100 : vector<200x128xf32>
    %add3A_111 = arith.addf %slice3A_101, %slice3A_102 : vector<200x128xf32>
    %add3A_112 = arith.addf %slice3A_103, %slice3A_104 : vector<200x128xf32>
    %add3A_113 = arith.addf %add3A_105, %add3A_106 : vector<200x128xf32>
    %add3A_114 = arith.addf %add3A_107, %add3A_108 : vector<200x128xf32>
    %add3A_115 = arith.addf %add3A_109, %add3A_110 : vector<200x128xf32>
    %add3A_116 = arith.addf %add3A_111, %add3A_112 : vector<200x128xf32>
    %add3A_117 = arith.addf %add3A_113, %add3A_114 : vector<200x128xf32>
    %add3A_118 = arith.addf %add3A_115, %add3A_116 : vector<200x128xf32>
    %add3A_119 = arith.addf %add3A_117, %add3A_118 : vector<200x128xf32>
    %add3A_120 = arith.constant 9.99999968E-21 : f32
    %add3A_121 = vector.broadcast %add3A_120 : f32 to vector<200x128xf32>
    %add3A_122 = arith.addf %add3A_119, %add3A_121 : vector<200x128xf32>
    %slice3A_123 = vector.extract_strided_slice %mul3A_86 {offsets = [0, 0], sizes = [200, 64], strides = [1, 1]} : vector<3200x64xf32> to vector<200x64xf32>
    %slice3A_124 = vector.extract_strided_slice %mul3A_86 {offsets = [200, 0], sizes = [200, 64], strides = [1, 1]} : vector<3200x64xf32> to vector<200x64xf32>
    %slice3A_125 = vector.extract_strided_slice %mul3A_86 {offsets = [400, 0], sizes = [200, 64], strides = [1, 1]} : vector<3200x64xf32> to vector<200x64xf32>
    %slice3A_126 = vector.extract_strided_slice %mul3A_86 {offsets = [600, 0], sizes = [200, 64], strides = [1, 1]} : vector<3200x64xf32> to vector<200x64xf32>
    %slice3A_127 = vector.extract_strided_slice %mul3A_86 {offsets = [800, 0], sizes = [200, 64], strides = [1, 1]} : vector<3200x64xf32> to vector<200x64xf32>
    %slice3A_128 = vector.extract_strided_slice %mul3A_86 {offsets = [1000, 0], sizes = [200, 64], strides = [1, 1]} : vector<3200x64xf32> to vector<200x64xf32>
    %slice3A_129 = vector.extract_strided_slice %mul3A_86 {offsets = [1200, 0], sizes = [200, 64], strides = [1, 1]} : vector<3200x64xf32> to vector<200x64xf32>
    %slice3A_130 = vector.extract_strided_slice %mul3A_86 {offsets = [1400, 0], sizes = [200, 64], strides = [1, 1]} : vector<3200x64xf32> to vector<200x64xf32>
    %slice3A_131 = vector.extract_strided_slice %mul3A_86 {offsets = [1600, 0], sizes = [200, 64], strides = [1, 1]} : vector<3200x64xf32> to vector<200x64xf32>
    %slice3A_132 = vector.extract_strided_slice %mul3A_86 {offsets = [1800, 0], sizes = [200, 64], strides = [1, 1]} : vector<3200x64xf32> to vector<200x64xf32>
    %slice3A_133 = vector.extract_strided_slice %mul3A_86 {offsets = [2000, 0], sizes = [200, 64], strides = [1, 1]} : vector<3200x64xf32> to vector<200x64xf32>
    %slice3A_134 = vector.extract_strided_slice %mul3A_86 {offsets = [2200, 0], sizes = [200, 64], strides = [1, 1]} : vector<3200x64xf32> to vector<200x64xf32>
    %slice3A_135 = vector.extract_strided_slice %mul3A_86 {offsets = [2400, 0], sizes = [200, 64], strides = [1, 1]} : vector<3200x64xf32> to vector<200x64xf32>
    %slice3A_136 = vector.extract_strided_slice %mul3A_86 {offsets = [2600, 0], sizes = [200, 64], strides = [1, 1]} : vector<3200x64xf32> to vector<200x64xf32>
    %slice3A_137 = vector.extract_strided_slice %mul3A_86 {offsets = [2800, 0], sizes = [200, 64], strides = [1, 1]} : vector<3200x64xf32> to vector<200x64xf32>
    %slice3A_138 = vector.extract_strided_slice %mul3A_86 {offsets = [3000, 0], sizes = [200, 64], strides = [1, 1]} : vector<3200x64xf32> to vector<200x64xf32>
    %add3A_139 = arith.addf %slice3A_123, %slice3A_124 : vector<200x64xf32>
    %add3A_140 = arith.addf %slice3A_125, %slice3A_126 : vector<200x64xf32>
    %add3A_141 = arith.addf %slice3A_127, %slice3A_128 : vector<200x64xf32>
    %add3A_142 = arith.addf %slice3A_129, %slice3A_130 : vector<200x64xf32>
    %add3A_143 = arith.addf %slice3A_131, %slice3A_132 : vector<200x64xf32>
    %add3A_144 = arith.addf %slice3A_133, %slice3A_134 : vector<200x64xf32>
    %add3A_145 = arith.addf %slice3A_135, %slice3A_136 : vector<200x64xf32>
    %add3A_146 = arith.addf %slice3A_137, %slice3A_138 : vector<200x64xf32>
    %add3A_147 = arith.addf %add3A_139, %add3A_140 : vector<200x64xf32>
    %add3A_148 = arith.addf %add3A_141, %add3A_142 : vector<200x64xf32>
    %add3A_149 = arith.addf %add3A_143, %add3A_144 : vector<200x64xf32>
    %add3A_150 = arith.addf %add3A_145, %add3A_146 : vector<200x64xf32>
    %add3A_151 = arith.addf %add3A_147, %add3A_148 : vector<200x64xf32>
    %add3A_152 = arith.addf %add3A_149, %add3A_150 : vector<200x64xf32>
    %add3A_153 = arith.addf %add3A_151, %add3A_152 : vector<200x64xf32>
    %slice3A_154 = vector.extract_strided_slice %add3A_122 {offsets = [0, 0], sizes = [200, 64], strides = [1, 1]} : vector<200x128xf32> to vector<200x64xf32>
    %div3A = arith.divf %add3A_153, %slice3A_154 : vector<200x64xf32>
    %slice3A_155 = vector.extract_strided_slice %mul3A_88 {offsets = [0, 0], sizes = [200, 64], strides = [1, 1]} : vector<3200x64xf32> to vector<200x64xf32>
    %slice3A_156 = vector.extract_strided_slice %mul3A_88 {offsets = [200, 0], sizes = [200, 64], strides = [1, 1]} : vector<3200x64xf32> to vector<200x64xf32>
    %slice3A_157 = vector.extract_strided_slice %mul3A_88 {offsets = [400, 0], sizes = [200, 64], strides = [1, 1]} : vector<3200x64xf32> to vector<200x64xf32>
    %slice3A_158 = vector.extract_strided_slice %mul3A_88 {offsets = [600, 0], sizes = [200, 64], strides = [1, 1]} : vector<3200x64xf32> to vector<200x64xf32>
    %slice3A_159 = vector.extract_strided_slice %mul3A_88 {offsets = [800, 0], sizes = [200, 64], strides = [1, 1]} : vector<3200x64xf32> to vector<200x64xf32>
    %slice3A_160 = vector.extract_strided_slice %mul3A_88 {offsets = [1000, 0], sizes = [200, 64], strides = [1, 1]} : vector<3200x64xf32> to vector<200x64xf32>
    %slice3A_161 = vector.extract_strided_slice %mul3A_88 {offsets = [1200, 0], sizes = [200, 64], strides = [1, 1]} : vector<3200x64xf32> to vector<200x64xf32>
    %slice3A_162 = vector.extract_strided_slice %mul3A_88 {offsets = [1400, 0], sizes = [200, 64], strides = [1, 1]} : vector<3200x64xf32> to vector<200x64xf32>
    %slice3A_163 = vector.extract_strided_slice %mul3A_88 {offsets = [1600, 0], sizes = [200, 64], strides = [1, 1]} : vector<3200x64xf32> to vector<200x64xf32>
    %slice3A_164 = vector.extract_strided_slice %mul3A_88 {offsets = [1800, 0], sizes = [200, 64], strides = [1, 1]} : vector<3200x64xf32> to vector<200x64xf32>
    %slice3A_165 = vector.extract_strided_slice %mul3A_88 {offsets = [2000, 0], sizes = [200, 64], strides = [1, 1]} : vector<3200x64xf32> to vector<200x64xf32>
    %slice3A_166 = vector.extract_strided_slice %mul3A_88 {offsets = [2200, 0], sizes = [200, 64], strides = [1, 1]} : vector<3200x64xf32> to vector<200x64xf32>
    %slice3A_167 = vector.extract_strided_slice %mul3A_88 {offsets = [2400, 0], sizes = [200, 64], strides = [1, 1]} : vector<3200x64xf32> to vector<200x64xf32>
    %slice3A_168 = vector.extract_strided_slice %mul3A_88 {offsets = [2600, 0], sizes = [200, 64], strides = [1, 1]} : vector<3200x64xf32> to vector<200x64xf32>
    %slice3A_169 = vector.extract_strided_slice %mul3A_88 {offsets = [2800, 0], sizes = [200, 64], strides = [1, 1]} : vector<3200x64xf32> to vector<200x64xf32>
    %slice3A_170 = vector.extract_strided_slice %mul3A_88 {offsets = [3000, 0], sizes = [200, 64], strides = [1, 1]} : vector<3200x64xf32> to vector<200x64xf32>
    %add3A_171 = arith.addf %slice3A_155, %slice3A_156 : vector<200x64xf32>
    %add3A_172 = arith.addf %slice3A_157, %slice3A_158 : vector<200x64xf32>
    %add3A_173 = arith.addf %slice3A_159, %slice3A_160 : vector<200x64xf32>
    %add3A_174 = arith.addf %slice3A_161, %slice3A_162 : vector<200x64xf32>
    %add3A_175 = arith.addf %slice3A_163, %slice3A_164 : vector<200x64xf32>
    %add3A_176 = arith.addf %slice3A_165, %slice3A_166 : vector<200x64xf32>
    %add3A_177 = arith.addf %slice3A_167, %slice3A_168 : vector<200x64xf32>
    %add3A_178 = arith.addf %slice3A_169, %slice3A_170 : vector<200x64xf32>
    %add3A_179 = arith.addf %add3A_171, %add3A_172 : vector<200x64xf32>
    %add3A_180 = arith.addf %add3A_173, %add3A_174 : vector<200x64xf32>
    %add3A_181 = arith.addf %add3A_175, %add3A_176 : vector<200x64xf32>
    %add3A_182 = arith.addf %add3A_177, %add3A_178 : vector<200x64xf32>
    %add3A_183 = arith.addf %add3A_179, %add3A_180 : vector<200x64xf32>
    %add3A_184 = arith.addf %add3A_181, %add3A_182 : vector<200x64xf32>
    %add3A_185 = arith.addf %add3A_183, %add3A_184 : vector<200x64xf32>
    %slice3A_186 = vector.extract_strided_slice %add3A_122 {offsets = [0, 64], sizes = [200, 64], strides = [1, 1]} : vector<200x128xf32> to vector<200x64xf32>
    %div3A_187 = arith.divf %add3A_185, %slice3A_186 : vector<200x64xf32>
    %slice3A_188 = vector.extract_strided_slice %get3A_5 {offsets = [0, 0], sizes = [64, 128], strides = [1, 1]} : vector<128x128xf32> to vector<64x128xf32>
    %dot_general3A_189 = arith.constant dense<0.000000e+00> : vector<200x128xf32>
    %dot_general3A_190 = tpu.matmul %div3A, %slice3A_188, %dot_general3A_189 {dimension_numbers = #tpu.dot_dimension_numbers<[1], [0], [0], [1], [0, 0, 1, 1], [], []>, transpose_lhs_hint = false} : vector<200x64xf32>, vector<64x128xf32>, vector<200x128xf32> -> vector<200x128xf32>
    %add3A_191 = arith.addf %get3A_40, %dot_general3A_190 : vector<200x128xf32>
    %slice3A_192 = vector.extract_strided_slice %get3A_5 {offsets = [64, 0], sizes = [64, 128], strides = [1, 1]} : vector<128x128xf32> to vector<64x128xf32>
    %dot_general3A_193 = arith.constant dense<0.000000e+00> : vector<200x128xf32>
    %dot_general3A_194 = tpu.matmul %div3A_187, %slice3A_192, %dot_general3A_193 {dimension_numbers = #tpu.dot_dimension_numbers<[1], [0], [0], [1], [0, 0, 1, 1], [], []>, transpose_lhs_hint = false} : vector<200x64xf32>, vector<64x128xf32>, vector<200x128xf32> -> vector<200x128xf32>
    %add3A_195 = arith.addf %add3A_191, %dot_general3A_194 : vector<200x128xf32>
    %get3A_196 = arith.constant 0 : index
    %get3A_197 = arith.constant 0 : index
    %get3A_198 = vector.load %arg8[%get3A_196, %get3A_197] : memref<1x128xf32, #tpu.memory_space<vmem>>, vector<1x128xf32>
    %add3A_199 = vector.broadcast %get3A_198 : vector<1x128xf32> to vector<200x128xf32>
    %add3A_200 = arith.addf %add3A_195, %add3A_199 : vector<200x128xf32>
    %reduce_sum3A = arith.constant dense<0.000000e+00> : vector<200xf32>
    %reduce_sum3A_201 = vector.multi_reduction <add>, %add3A_200, %reduce_sum3A [1] : vector<200x128xf32> to vector<200xf32>
    %broadcast_in_dim3A_202 = vector.shape_cast %reduce_sum3A_201 : vector<200xf32> to vector<200x1xf32>
    %div3A_203 = arith.constant 1.280000e+02 : f32
    %div3A_204 = vector.broadcast %div3A_203 : f32 to vector<200x1xf32>
    %div3A_205 = arith.divf %broadcast_in_dim3A_202, %div3A_204 : vector<200x1xf32>
    %sub3A = vector.broadcast %div3A_205 : vector<200x1xf32> to vector<200x128xf32>
    %sub3A_206 = arith.subf %add3A_200, %sub3A : vector<200x128xf32>
    %integer_pow3A = arith.mulf %sub3A_206, %sub3A_206 : vector<200x128xf32>
    %reduce_sum3A_207 = arith.constant dense<0.000000e+00> : vector<200xf32>
    %reduce_sum3A_208 = vector.multi_reduction <add>, %integer_pow3A, %reduce_sum3A_207 [1] : vector<200x128xf32> to vector<200xf32>
    %broadcast_in_dim3A_209 = vector.shape_cast %reduce_sum3A_208 : vector<200xf32> to vector<200x1xf32>
    %div3A_210 = arith.constant 1.280000e+02 : f32
    %div3A_211 = vector.broadcast %div3A_210 : f32 to vector<200x1xf32>
    %div3A_212 = arith.divf %broadcast_in_dim3A_209, %div3A_211 : vector<200x1xf32>
    %sub3A_213 = vector.broadcast %div3A_205 : vector<200x1xf32> to vector<200x128xf32>
    %sub3A_214 = arith.subf %add3A_200, %sub3A_213 : vector<200x128xf32>
    %add3A_215 = arith.constant 9.99999974E-6 : f32
    %add3A_216 = vector.broadcast %add3A_215 : f32 to vector<200x1xf32>
    %add3A_217 = arith.addf %div3A_212, %add3A_216 : vector<200x1xf32>
    %sqrt3A = math.sqrt %add3A_217 : vector<200x1xf32>
    %div3A_218 = vector.broadcast %sqrt3A : vector<200x1xf32> to vector<200x128xf32>
    %div3A_219 = arith.divf %sub3A_214, %div3A_218 : vector<200x128xf32>
    %get3A_220 = arith.constant 0 : index
    %get3A_221 = arith.constant 0 : index
    %get3A_222 = vector.load %arg9[%get3A_220, %get3A_221] : memref<1x128xf32, #tpu.memory_space<vmem>>, vector<1x128xf32>
    %mul3A_223 = vector.broadcast %get3A_222 : vector<1x128xf32> to vector<200x128xf32>
    %mul3A_224 = arith.mulf %div3A_219, %mul3A_223 : vector<200x128xf32>
    %get3A_225 = arith.constant 0 : index
    %get3A_226 = arith.constant 0 : index
    %get3A_227 = vector.load %arg10[%get3A_225, %get3A_226] : memref<1x128xf32, #tpu.memory_space<vmem>>, vector<1x128xf32>
    %add3A_228 = vector.broadcast %get3A_227 : vector<1x128xf32> to vector<200x128xf32>
    %add3A_229 = arith.addf %mul3A_224, %add3A_228 : vector<200x128xf32>
    %get3A_230 = arith.constant 0 : index
    %get3A_231 = arith.constant 0 : index
    %get3A_232 = vector.load %arg13[%get3A_230, %get3A_231] : memref<128x256xf32, #tpu.memory_space<vmem>>, vector<128x256xf32>
    %dot_general3A_233 = arith.constant dense<0.000000e+00> : vector<200x256xf32>
    %dot_general3A_234 = tpu.matmul %add3A_229, %get3A_232, %dot_general3A_233 {dimension_numbers = #tpu.dot_dimension_numbers<[1], [0], [0], [1], [0, 0, 1, 1], [], []>, transpose_lhs_hint = false} : vector<200x128xf32>, vector<128x256xf32>, vector<200x256xf32> -> vector<200x256xf32>
    %get3A_235 = arith.constant 0 : index
    %get3A_236 = arith.constant 0 : index
    %get3A_237 = vector.load %arg14[%get3A_235, %get3A_236] : memref<1x256xf32, #tpu.memory_space<vmem>>, vector<1x256xf32>
    %add3A_238 = vector.broadcast %get3A_237 : vector<1x256xf32> to vector<200x256xf32>
    %add3A_239 = arith.addf %dot_general3A_234, %add3A_238 : vector<200x256xf32>
    %max3A = arith.constant 0.000000e+00 : f32
    %max3A_240 = vector.broadcast %max3A : f32 to vector<200x256xf32>
    %max3A_241 = arith.maximumf %add3A_239, %max3A_240 : vector<200x256xf32>
    %get3A_242 = arith.constant 0 : index
    %get3A_243 = arith.constant 0 : index
    %get3A_244 = vector.load %arg15[%get3A_242, %get3A_243] : memref<256x128xf32, #tpu.memory_space<vmem>>, vector<256x128xf32>
    %dot_general3A_245 = arith.constant dense<0.000000e+00> : vector<200x128xf32>
    %dot_general3A_246 = tpu.matmul %max3A_241, %get3A_244, %dot_general3A_245 {dimension_numbers = #tpu.dot_dimension_numbers<[1], [0], [0], [1], [0, 0, 1, 1], [], []>, transpose_lhs_hint = false} : vector<200x256xf32>, vector<256x128xf32>, vector<200x128xf32> -> vector<200x128xf32>
    %get3A_247 = arith.constant 0 : index
    %get3A_248 = arith.constant 0 : index
    %get3A_249 = vector.load %arg16[%get3A_247, %get3A_248] : memref<1x128xf32, #tpu.memory_space<vmem>>, vector<1x128xf32>
    %add3A_250 = vector.broadcast %get3A_249 : vector<1x128xf32> to vector<200x128xf32>
    %add3A_251 = arith.addf %dot_general3A_246, %add3A_250 : vector<200x128xf32>
    %add3A_252 = arith.addf %add3A_229, %add3A_251 : vector<200x128xf32>
    %reduce_sum3A_253 = arith.constant dense<0.000000e+00> : vector<200xf32>
    %reduce_sum3A_254 = vector.multi_reduction <add>, %add3A_252, %reduce_sum3A_253 [1] : vector<200x128xf32> to vector<200xf32>
    %broadcast_in_dim3A_255 = vector.shape_cast %reduce_sum3A_254 : vector<200xf32> to vector<200x1xf32>
    %div3A_256 = arith.constant 1.280000e+02 : f32
    %div3A_257 = vector.broadcast %div3A_256 : f32 to vector<200x1xf32>
    %div3A_258 = arith.divf %broadcast_in_dim3A_255, %div3A_257 : vector<200x1xf32>
    %sub3A_259 = vector.broadcast %div3A_258 : vector<200x1xf32> to vector<200x128xf32>
    %sub3A_260 = arith.subf %add3A_252, %sub3A_259 : vector<200x128xf32>
    %integer_pow3A_261 = arith.mulf %sub3A_260, %sub3A_260 : vector<200x128xf32>
    %reduce_sum3A_262 = arith.constant dense<0.000000e+00> : vector<200xf32>
    %reduce_sum3A_263 = vector.multi_reduction <add>, %integer_pow3A_261, %reduce_sum3A_262 [1] : vector<200x128xf32> to vector<200xf32>
    %broadcast_in_dim3A_264 = vector.shape_cast %reduce_sum3A_263 : vector<200xf32> to vector<200x1xf32>
    %div3A_265 = arith.constant 1.280000e+02 : f32
    %div3A_266 = vector.broadcast %div3A_265 : f32 to vector<200x1xf32>
    %div3A_267 = arith.divf %broadcast_in_dim3A_264, %div3A_266 : vector<200x1xf32>
    %sub3A_268 = vector.broadcast %div3A_258 : vector<200x1xf32> to vector<200x128xf32>
    %sub3A_269 = arith.subf %add3A_252, %sub3A_268 : vector<200x128xf32>
    %add3A_270 = arith.constant 9.99999974E-6 : f32
    %add3A_271 = vector.broadcast %add3A_270 : f32 to vector<200x1xf32>
    %add3A_272 = arith.addf %div3A_267, %add3A_271 : vector<200x1xf32>
    %sqrt3A_273 = math.sqrt %add3A_272 : vector<200x1xf32>
    %div3A_274 = vector.broadcast %sqrt3A_273 : vector<200x1xf32> to vector<200x128xf32>
    %div3A_275 = arith.divf %sub3A_269, %div3A_274 : vector<200x128xf32>
    %get3A_276 = arith.constant 0 : index
    %get3A_277 = arith.constant 0 : index
    %get3A_278 = vector.load %arg11[%get3A_276, %get3A_277] : memref<1x128xf32, #tpu.memory_space<vmem>>, vector<1x128xf32>
    %mul3A_279 = vector.broadcast %get3A_278 : vector<1x128xf32> to vector<200x128xf32>
    %mul3A_280 = arith.mulf %div3A_275, %mul3A_279 : vector<200x128xf32>
    %get3A_281 = arith.constant 0 : index
    %get3A_282 = arith.constant 0 : index
    %get3A_283 = vector.load %arg12[%get3A_281, %get3A_282] : memref<1x128xf32, #tpu.memory_space<vmem>>, vector<1x128xf32>
    %add3A_284 = vector.broadcast %get3A_283 : vector<1x128xf32> to vector<200x128xf32>
    %add3A_285 = arith.addf %mul3A_280, %add3A_284 : vector<200x128xf32>
    %swap3A = arith.constant 0 : index
    %swap3A_286 = arith.constant 0 : index
    %swap3A_287 = arith.constant 0 : index
    %swap3A_288 = vector.load %arg20[%swap3A, %swap3A_286, %swap3A_287] : memref<2x200x128xf32, #tpu.memory_space<vmem>>, vector<1x200x128xf32>
    %swap3A_289 = vector.shape_cast %swap3A_288 : vector<1x200x128xf32> to vector<200x128xf32>
    %swap3A_290 = vector.shape_cast %add3A_285 : vector<200x128xf32> to vector<1x200x128xf32>
    tpu.vector_store %arg20[%swap3A, %swap3A_286, %swap3A_287], %swap3A_290 {strides = array<i32>} : memref<2x200x128xf32, #tpu.memory_space<vmem>>, vector<1x200x128xf32>,
    %get3A_291 = arith.constant 1 : index
    %get3A_292 = arith.constant 0 : index
    %get3A_293 = arith.constant 0 : index
    %get3A_294 = vector.load %arg1[%get3A_291, %get3A_292, %get3A_293] : memref<2x200x128xf32, #tpu.memory_space<vmem>>, vector<1x200x128xf32>
    %get3A_295 = vector.shape_cast %get3A_294 : vector<1x200x128xf32> to vector<200x128xf32>
    %dot_general3A_296 = arith.constant dense<0.000000e+00> : vector<200x128xf32>
    %dot_general3A_297 = tpu.matmul %get3A_295, %get3A_30, %dot_general3A_296 {dimension_numbers = #tpu.dot_dimension_numbers<[1], [0], [0], [1], [0, 0, 1, 1], [], []>, transpose_lhs_hint = false} : vector<200x128xf32>, vector<128x128xf32>, vector<200x128xf32> -> vector<200x128xf32>
    %get3A_298 = arith.constant 0 : index
    %get3A_299 = arith.constant 0 : index
    %get3A_300 = vector.load %arg6[%get3A_298, %get3A_299] : memref<1x128xf32, #tpu.memory_space<vmem>>, vector<1x128xf32>
    %add3A_301 = vector.broadcast %get3A_300 : vector<1x128xf32> to vector<200x128xf32>
    %add3A_302 = arith.addf %dot_general3A_297, %add3A_301 : vector<200x128xf32>
    %mul3A_303 = arith.constant 0.176776692 : f32
    %mul3A_304 = vector.broadcast %mul3A_303 : f32 to vector<200x128xf32>
    %mul3A_305 = arith.mulf %add3A_302, %mul3A_304 : vector<200x128xf32>
    %slice3A_306 = vector.extract_strided_slice %mul3A_305 {offsets = [0, 0], sizes = [200, 64], strides = [1, 1]} : vector<200x128xf32> to vector<200x64xf32>
    %slice3A_307 = vector.extract_strided_slice %mul3A_305 {offsets = [0, 64], sizes = [200, 64], strides = [1, 1]} : vector<200x128xf32> to vector<200x64xf32>
    %slice3A_308 = vector.extract_strided_slice %reshape3A_35 {offsets = [0, 64], sizes = [3200, 64], strides = [1, 1]} : vector<3200x256xi32> to vector<3200x64xi32>
    %bitcast_convert_type3A_309 = tpu.bitcast %slice3A_308 : vector<3200x64xi32> -> vector<3200x64xi32>
    %shift_left3A_310 = arith.constant 16 : i32
    %shift_left3A_311 = vector.broadcast %shift_left3A_310 : i32 to vector<3200x64xi32>
    %shift_left3A_312 = arith.shli %bitcast_convert_type3A_309, %shift_left3A_311 : vector<3200x64xi32>
    %bitcast_convert_type3A_313 = tpu.bitcast %shift_left3A_312 : vector<3200x64xi32> -> vector<3200x64xf32>
    %and3A_314 = arith.constant -65536 : i32
    %and3A_315 = vector.broadcast %and3A_314 : i32 to vector<3200x64xi32>
    %and3A_316 = arith.andi %bitcast_convert_type3A_309, %and3A_315 : vector<3200x64xi32>
    %bitcast_convert_type3A_317 = tpu.bitcast %and3A_316 : vector<3200x64xi32> -> vector<3200x64xf32>
    %reshape3A_318 = vector.shape_cast %bitcast_convert_type3A_313 : vector<3200x64xf32> to vector<16x200x64xf32>
    %broadcast_in_dim3A_319 = vector.shape_cast %slice3A_306 : vector<200x64xf32> to vector<1x200x64xf32>
    %mul3A_320 = vector.broadcast %broadcast_in_dim3A_319 : vector<1x200x64xf32> to vector<16x200x64xf32>
    %mul3A_321 = arith.mulf %reshape3A_318, %mul3A_320 : vector<16x200x64xf32>
    %reshape3A_322 = vector.shape_cast %mul3A_321 : vector<16x200x64xf32> to vector<3200x64xf32>
    %reshape3A_323 = vector.shape_cast %bitcast_convert_type3A_317 : vector<3200x64xf32> to vector<16x200x64xf32>
    %broadcast_in_dim3A_324 = vector.shape_cast %slice3A_307 : vector<200x64xf32> to vector<1x200x64xf32>
    %mul3A_325 = vector.broadcast %broadcast_in_dim3A_324 : vector<1x200x64xf32> to vector<16x200x64xf32>
    %mul3A_326 = arith.mulf %reshape3A_323, %mul3A_325 : vector<16x200x64xf32>
    %reshape3A_327 = vector.shape_cast %mul3A_326 : vector<16x200x64xf32> to vector<3200x64xf32>
    %dot_general3A_328 = arith.constant dense<0.000000e+00> : vector<3200x128xf32>
    %dot_general3A_329 = tpu.matmul %reshape3A_322, %slice3A, %dot_general3A_328 {dimension_numbers = #tpu.dot_dimension_numbers<[1], [0], [0], [1], [0, 0, 1, 1], [], []>, transpose_lhs_hint = false} : vector<3200x64xf32>, vector<64x128xf32>, vector<3200x128xf32> -> vector<3200x128xf32>
    %dot_general3A_330 = arith.constant dense<0.000000e+00> : vector<3200x128xf32>
    %dot_general3A_331 = tpu.matmul %reshape3A_327, %slice3A_2, %dot_general3A_330 {dimension_numbers = #tpu.dot_dimension_numbers<[1], [0], [0], [1], [0, 0, 1, 1], [], []>, transpose_lhs_hint = false} : vector<3200x64xf32>, vector<64x128xf32>, vector<3200x128xf32> -> vector<3200x128xf32>
    %add3A_332 = arith.addf %dot_general3A_329, %dot_general3A_331 : vector<3200x128xf32>
    %add3A_333 = arith.addf %add3A_332, %select_n3A : vector<3200x128xf32>
    %exp3A_334 = math.exp %add3A_333 : vector<3200x128xf32>
    %slice3A_335 = vector.extract_strided_slice %reshape3A_35 {offsets = [0, 192], sizes = [3200, 64], strides = [1, 1]} : vector<3200x256xi32> to vector<3200x64xi32>
    %bitcast_convert_type3A_336 = tpu.bitcast %slice3A_335 : vector<3200x64xi32> -> vector<3200x64xi32>
    %shift_left3A_337 = arith.constant 16 : i32
    %shift_left3A_338 = vector.broadcast %shift_left3A_337 : i32 to vector<3200x64xi32>
    %shift_left3A_339 = arith.shli %bitcast_convert_type3A_336, %shift_left3A_338 : vector<3200x64xi32>
    %bitcast_convert_type3A_340 = tpu.bitcast %shift_left3A_339 : vector<3200x64xi32> -> vector<3200x64xf32>
    %and3A_341 = arith.constant -65536 : i32
    %and3A_342 = vector.broadcast %and3A_341 : i32 to vector<3200x64xi32>
    %and3A_343 = arith.andi %bitcast_convert_type3A_336, %and3A_342 : vector<3200x64xi32>
    %bitcast_convert_type3A_344 = tpu.bitcast %and3A_343 : vector<3200x64xi32> -> vector<3200x64xf32>
    %slice3A_345 = vector.extract_strided_slice %exp3A_334 {offsets = [0, 0], sizes = [3200, 64], strides = [1, 1]} : vector<3200x128xf32> to vector<3200x64xf32>
    %mul3A_346 = arith.mulf %slice3A_345, %bitcast_convert_type3A_340 : vector<3200x64xf32>
    %slice3A_347 = vector.extract_strided_slice %exp3A_334 {offsets = [0, 64], sizes = [3200, 64], strides = [1, 1]} : vector<3200x128xf32> to vector<3200x64xf32>
    %mul3A_348 = arith.mulf %slice3A_347, %bitcast_convert_type3A_344 : vector<3200x64xf32>
    %slice3A_349 = vector.extract_strided_slice %exp3A_334 {offsets = [0, 0], sizes = [200, 128], strides = [1, 1]} : vector<3200x128xf32> to vector<200x128xf32>
    %slice3A_350 = vector.extract_strided_slice %exp3A_334 {offsets = [200, 0], sizes = [200, 128], strides = [1, 1]} : vector<3200x128xf32> to vector<200x128xf32>
    %slice3A_351 = vector.extract_strided_slice %exp3A_334 {offsets = [400, 0], sizes = [200, 128], strides = [1, 1]} : vector<3200x128xf32> to vector<200x128xf32>
    %slice3A_352 = vector.extract_strided_slice %exp3A_334 {offsets = [600, 0], sizes = [200, 128], strides = [1, 1]} : vector<3200x128xf32> to vector<200x128xf32>
    %slice3A_353 = vector.extract_strided_slice %exp3A_334 {offsets = [800, 0], sizes = [200, 128], strides = [1, 1]} : vector<3200x128xf32> to vector<200x128xf32>
    %slice3A_354 = vector.extract_strided_slice %exp3A_334 {offsets = [1000, 0], sizes = [200, 128], strides = [1, 1]} : vector<3200x128xf32> to vector<200x128xf32>
    %slice3A_355 = vector.extract_strided_slice %exp3A_334 {offsets = [1200, 0], sizes = [200, 128], strides = [1, 1]} : vector<3200x128xf32> to vector<200x128xf32>
    %slice3A_356 = vector.extract_strided_slice %exp3A_334 {offsets = [1400, 0], sizes = [200, 128], strides = [1, 1]} : vector<3200x128xf32> to vector<200x128xf32>
    %slice3A_357 = vector.extract_strided_slice %exp3A_334 {offsets = [1600, 0], sizes = [200, 128], strides = [1, 1]} : vector<3200x128xf32> to vector<200x128xf32>
    %slice3A_358 = vector.extract_strided_slice %exp3A_334 {offsets = [1800, 0], sizes = [200, 128], strides = [1, 1]} : vector<3200x128xf32> to vector<200x128xf32>
    %slice3A_359 = vector.extract_strided_slice %exp3A_334 {offsets = [2000, 0], sizes = [200, 128], strides = [1, 1]} : vector<3200x128xf32> to vector<200x128xf32>
    %slice3A_360 = vector.extract_strided_slice %exp3A_334 {offsets = [2200, 0], sizes = [200, 128], strides = [1, 1]} : vector<3200x128xf32> to vector<200x128xf32>
    %slice3A_361 = vector.extract_strided_slice %exp3A_334 {offsets = [2400, 0], sizes = [200, 128], strides = [1, 1]} : vector<3200x128xf32> to vector<200x128xf32>
    %slice3A_362 = vector.extract_strided_slice %exp3A_334 {offsets = [2600, 0], sizes = [200, 128], strides = [1, 1]} : vector<3200x128xf32> to vector<200x128xf32>
    %slice3A_363 = vector.extract_strided_slice %exp3A_334 {offsets = [2800, 0], sizes = [200, 128], strides = [1, 1]} : vector<3200x128xf32> to vector<200x128xf32>
    %slice3A_364 = vector.extract_strided_slice %exp3A_334 {offsets = [3000, 0], sizes = [200, 128], strides = [1, 1]} : vector<3200x128xf32> to vector<200x128xf32>
    %add3A_365 = arith.addf %slice3A_349, %slice3A_350 : vector<200x128xf32>
    %add3A_366 = arith.addf %slice3A_351, %slice3A_352 : vector<200x128xf32>
    %add3A_367 = arith.addf %slice3A_353, %slice3A_354 : vector<200x128xf32>
    %add3A_368 = arith.addf %slice3A_355, %slice3A_356 : vector<200x128xf32>
    %add3A_369 = arith.addf %slice3A_357, %slice3A_358 : vector<200x128xf32>
    %add3A_370 = arith.addf %slice3A_359, %slice3A_360 : vector<200x128xf32>
    %add3A_371 = arith.addf %slice3A_361, %slice3A_362 : vector<200x128xf32>
    %add3A_372 = arith.addf %slice3A_363, %slice3A_364 : vector<200x128xf32>
    %add3A_373 = arith.addf %add3A_365, %add3A_366 : vector<200x128xf32>
    %add3A_374 = arith.addf %add3A_367, %add3A_368 : vector<200x128xf32>
    %add3A_375 = arith.addf %add3A_369, %add3A_370 : vector<200x128xf32>
    %add3A_376 = arith.addf %add3A_371, %add3A_372 : vector<200x128xf32>
    %add3A_377 = arith.addf %add3A_373, %add3A_374 : vector<200x128xf32>
    %add3A_378 = arith.addf %add3A_375, %add3A_376 : vector<200x128xf32>
    %add3A_379 = arith.addf %add3A_377, %add3A_378 : vector<200x128xf32>
    %add3A_380 = arith.constant 9.99999968E-21 : f32
    %add3A_381 = vector.broadcast %add3A_380 : f32 to vector<200x128xf32>
    %add3A_382 = arith.addf %add3A_379, %add3A_381 : vector<200x128xf32>
    %slice3A_383 = vector.extract_strided_slice %mul3A_346 {offsets = [0, 0], sizes = [200, 64], strides = [1, 1]} : vector<3200x64xf32> to vector<200x64xf32>
    %slice3A_384 = vector.extract_strided_slice %mul3A_346 {offsets = [200, 0], sizes = [200, 64], strides = [1, 1]} : vector<3200x64xf32> to vector<200x64xf32>
    %slice3A_385 = vector.extract_strided_slice %mul3A_346 {offsets = [400, 0], sizes = [200, 64], strides = [1, 1]} : vector<3200x64xf32> to vector<200x64xf32>
    %slice3A_386 = vector.extract_strided_slice %mul3A_346 {offsets = [600, 0], sizes = [200, 64], strides = [1, 1]} : vector<3200x64xf32> to vector<200x64xf32>
    %slice3A_387 = vector.extract_strided_slice %mul3A_346 {offsets = [800, 0], sizes = [200, 64], strides = [1, 1]} : vector<3200x64xf32> to vector<200x64xf32>
    %slice3A_388 = vector.extract_strided_slice %mul3A_346 {offsets = [1000, 0], sizes = [200, 64], strides = [1, 1]} : vector<3200x64xf32> to vector<200x64xf32>
    %slice3A_389 = vector.extract_strided_slice %mul3A_346 {offsets = [1200, 0], sizes = [200, 64], strides = [1, 1]} : vector<3200x64xf32> to vector<200x64xf32>
    %slice3A_390 = vector.extract_strided_slice %mul3A_346 {offsets = [1400, 0], sizes = [200, 64], strides = [1, 1]} : vector<3200x64xf32> to vector<200x64xf32>
    %slice3A_391 = vector.extract_strided_slice %mul3A_346 {offsets = [1600, 0], sizes = [200, 64], strides = [1, 1]} : vector<3200x64xf32> to vector<200x64xf32>
    %slice3A_392 = vector.extract_strided_slice %mul3A_346 {offsets = [1800, 0], sizes = [200, 64], strides = [1, 1]} : vector<3200x64xf32> to vector<200x64xf32>
    %slice3A_393 = vector.extract_strided_slice %mul3A_346 {offsets = [2000, 0], sizes = [200, 64], strides = [1, 1]} : vector<3200x64xf32> to vector<200x64xf32>
    %slice3A_394 = vector.extract_strided_slice %mul3A_346 {offsets = [2200, 0], sizes = [200, 64], strides = [1, 1]} : vector<3200x64xf32> to vector<200x64xf32>
    %slice3A_395 = vector.extract_strided_slice %mul3A_346 {offsets = [2400, 0], sizes = [200, 64], strides = [1, 1]} : vector<3200x64xf32> to vector<200x64xf32>
    %slice3A_396 = vector.extract_strided_slice %mul3A_346 {offsets = [2600, 0], sizes = [200, 64], strides = [1, 1]} : vector<3200x64xf32> to vector<200x64xf32>
    %slice3A_397 = vector.extract_strided_slice %mul3A_346 {offsets = [2800, 0], sizes = [200, 64], strides = [1, 1]} : vector<3200x64xf32> to vector<200x64xf32>
    %slice3A_398 = vector.extract_strided_slice %mul3A_346 {offsets = [3000, 0], sizes = [200, 64], strides = [1, 1]} : vector<3200x64xf32> to vector<200x64xf32>
    %add3A_399 = arith.addf %slice3A_383, %slice3A_384 : vector<200x64xf32>
    %add3A_400 = arith.addf %slice3A_385, %slice3A_386 : vector<200x64xf32>
    %add3A_401 = arith.addf %slice3A_387, %slice3A_388 : vector<200x64xf32>
    %add3A_402 = arith.addf %slice3A_389, %slice3A_390 : vector<200x64xf32>
    %add3A_403 = arith.addf %slice3A_391, %slice3A_392 : vector<200x64xf32>
    %add3A_404 = arith.addf %slice3A_393, %slice3A_394 : vector<200x64xf32>
    %add3A_405 = arith.addf %slice3A_395, %slice3A_396 : vector<200x64xf32>
    %add3A_406 = arith.addf %slice3A_397, %slice3A_398 : vector<200x64xf32>
    %add3A_407 = arith.addf %add3A_399, %add3A_400 : vector<200x64xf32>
    %add3A_408 = arith.addf %add3A_401, %add3A_402 : vector<200x64xf32>
    %add3A_409 = arith.addf %add3A_403, %add3A_404 : vector<200x64xf32>
    %add3A_410 = arith.addf %add3A_405, %add3A_406 : vector<200x64xf32>
    %add3A_411 = arith.addf %add3A_407, %add3A_408 : vector<200x64xf32>
    %add3A_412 = arith.addf %add3A_409, %add3A_410 : vector<200x64xf32>
    %add3A_413 = arith.addf %add3A_411, %add3A_412 : vector<200x64xf32>
    %slice3A_414 = vector.extract_strided_slice %add3A_382 {offsets = [0, 0], sizes = [200, 64], strides = [1, 1]} : vector<200x128xf32> to vector<200x64xf32>
    %div3A_415 = arith.divf %add3A_413, %slice3A_414 : vector<200x64xf32>
    %slice3A_416 = vector.extract_strided_slice %mul3A_348 {offsets = [0, 0], sizes = [200, 64], strides = [1, 1]} : vector<3200x64xf32> to vector<200x64xf32>
    %slice3A_417 = vector.extract_strided_slice %mul3A_348 {offsets = [200, 0], sizes = [200, 64], strides = [1, 1]} : vector<3200x64xf32> to vector<200x64xf32>
    %slice3A_418 = vector.extract_strided_slice %mul3A_348 {offsets = [400, 0], sizes = [200, 64], strides = [1, 1]} : vector<3200x64xf32> to vector<200x64xf32>
    %slice3A_419 = vector.extract_strided_slice %mul3A_348 {offsets = [600, 0], sizes = [200, 64], strides = [1, 1]} : vector<3200x64xf32> to vector<200x64xf32>
    %slice3A_420 = vector.extract_strided_slice %mul3A_348 {offsets = [800, 0], sizes = [200, 64], strides = [1, 1]} : vector<3200x64xf32> to vector<200x64xf32>
    %slice3A_421 = vector.extract_strided_slice %mul3A_348 {offsets = [1000, 0], sizes = [200, 64], strides = [1, 1]} : vector<3200x64xf32> to vector<200x64xf32>
    %slice3A_422 = vector.extract_strided_slice %mul3A_348 {offsets = [1200, 0], sizes = [200, 64], strides = [1, 1]} : vector<3200x64xf32> to vector<200x64xf32>
    %slice3A_423 = vector.extract_strided_slice %mul3A_348 {offsets = [1400, 0], sizes = [200, 64], strides = [1, 1]} : vector<3200x64xf32> to vector<200x64xf32>
    %slice3A_424 = vector.extract_strided_slice %mul3A_348 {offsets = [1600, 0], sizes = [200, 64], strides = [1, 1]} : vector<3200x64xf32> to vector<200x64xf32>
    %slice3A_425 = vector.extract_strided_slice %mul3A_348 {offsets = [1800, 0], sizes = [200, 64], strides = [1, 1]} : vector<3200x64xf32> to vector<200x64xf32>
    %slice3A_426 = vector.extract_strided_slice %mul3A_348 {offsets = [2000, 0], sizes = [200, 64], strides = [1, 1]} : vector<3200x64xf32> to vector<200x64xf32>
    %slice3A_427 = vector.extract_strided_slice %mul3A_348 {offsets = [2200, 0], sizes = [200, 64], strides = [1, 1]} : vector<3200x64xf32> to vector<200x64xf32>
    %slice3A_428 = vector.extract_strided_slice %mul3A_348 {offsets = [2400, 0], sizes = [200, 64], strides = [1, 1]} : vector<3200x64xf32> to vector<200x64xf32>
    %slice3A_429 = vector.extract_strided_slice %mul3A_348 {offsets = [2600, 0], sizes = [200, 64], strides = [1, 1]} : vector<3200x64xf32> to vector<200x64xf32>
    %slice3A_430 = vector.extract_strided_slice %mul3A_348 {offsets = [2800, 0], sizes = [200, 64], strides = [1, 1]} : vector<3200x64xf32> to vector<200x64xf32>
    %slice3A_431 = vector.extract_strided_slice %mul3A_348 {offsets = [3000, 0], sizes = [200, 64], strides = [1, 1]} : vector<3200x64xf32> to vector<200x64xf32>
    %add3A_432 = arith.addf %slice3A_416, %slice3A_417 : vector<200x64xf32>
    %add3A_433 = arith.addf %slice3A_418, %slice3A_419 : vector<200x64xf32>
    %add3A_434 = arith.addf %slice3A_420, %slice3A_421 : vector<200x64xf32>
    %add3A_435 = arith.addf %slice3A_422, %slice3A_423 : vector<200x64xf32>
    %add3A_436 = arith.addf %slice3A_424, %slice3A_425 : vector<200x64xf32>
    %add3A_437 = arith.addf %slice3A_426, %slice3A_427 : vector<200x64xf32>
    %add3A_438 = arith.addf %slice3A_428, %slice3A_429 : vector<200x64xf32>
    %add3A_439 = arith.addf %slice3A_430, %slice3A_431 : vector<200x64xf32>
    %add3A_440 = arith.addf %add3A_432, %add3A_433 : vector<200x64xf32>
    %add3A_441 = arith.addf %add3A_434, %add3A_435 : vector<200x64xf32>
    %add3A_442 = arith.addf %add3A_436, %add3A_437 : vector<200x64xf32>
    %add3A_443 = arith.addf %add3A_438, %add3A_439 : vector<200x64xf32>
    %add3A_444 = arith.addf %add3A_440, %add3A_441 : vector<200x64xf32>
    %add3A_445 = arith.addf %add3A_442, %add3A_443 : vector<200x64xf32>
    %add3A_446 = arith.addf %add3A_444, %add3A_445 : vector<200x64xf32>
    %slice3A_447 = vector.extract_strided_slice %add3A_382 {offsets = [0, 64], sizes = [200, 64], strides = [1, 1]} : vector<200x128xf32> to vector<200x64xf32>
    %div3A_448 = arith.divf %add3A_446, %slice3A_447 : vector<200x64xf32>
    %slice3A_449 = vector.extract_strided_slice %get3A_5 {offsets = [0, 0], sizes = [64, 128], strides = [1, 1]} : vector<128x128xf32> to vector<64x128xf32>
    %dot_general3A_450 = arith.constant dense<0.000000e+00> : vector<200x128xf32>
    %dot_general3A_451 = tpu.matmul %div3A_415, %slice3A_449, %dot_general3A_450 {dimension_numbers = #tpu.dot_dimension_numbers<[1], [0], [0], [1], [0, 0, 1, 1], [], []>, transpose_lhs_hint = false} : vector<200x64xf32>, vector<64x128xf32>, vector<200x128xf32> -> vector<200x128xf32>
    %add3A_452 = arith.addf %get3A_295, %dot_general3A_451 : vector<200x128xf32>
    %slice3A_453 = vector.extract_strided_slice %get3A_5 {offsets = [64, 0], sizes = [64, 128], strides = [1, 1]} : vector<128x128xf32> to vector<64x128xf32>
    %dot_general3A_454 = arith.constant dense<0.000000e+00> : vector<200x128xf32>
    %dot_general3A_455 = tpu.matmul %div3A_448, %slice3A_453, %dot_general3A_454 {dimension_numbers = #tpu.dot_dimension_numbers<[1], [0], [0], [1], [0, 0, 1, 1], [], []>, transpose_lhs_hint = false} : vector<200x64xf32>, vector<64x128xf32>, vector<200x128xf32> -> vector<200x128xf32>
    %add3A_456 = arith.addf %add3A_452, %dot_general3A_455 : vector<200x128xf32>
    %get3A_457 = arith.constant 0 : index
    %get3A_458 = arith.constant 0 : index
    %get3A_459 = vector.load %arg8[%get3A_457, %get3A_458] : memref<1x128xf32, #tpu.memory_space<vmem>>, vector<1x128xf32>
    %add3A_460 = vector.broadcast %get3A_459 : vector<1x128xf32> to vector<200x128xf32>
    %add3A_461 = arith.addf %add3A_456, %add3A_460 : vector<200x128xf32>
    %reduce_sum3A_462 = arith.constant dense<0.000000e+00> : vector<200xf32>
    %reduce_sum3A_463 = vector.multi_reduction <add>, %add3A_461, %reduce_sum3A_462 [1] : vector<200x128xf32> to vector<200xf32>
    %broadcast_in_dim3A_464 = vector.shape_cast %reduce_sum3A_463 : vector<200xf32> to vector<200x1xf32>
    %div3A_465 = arith.constant 1.280000e+02 : f32
    %div3A_466 = vector.broadcast %div3A_465 : f32 to vector<200x1xf32>
    %div3A_467 = arith.divf %broadcast_in_dim3A_464, %div3A_466 : vector<200x1xf32>
    %sub3A_468 = vector.broadcast %div3A_467 : vector<200x1xf32> to vector<200x128xf32>
    %sub3A_469 = arith.subf %add3A_461, %sub3A_468 : vector<200x128xf32>
    %integer_pow3A_470 = arith.mulf %sub3A_469, %sub3A_469 : vector<200x128xf32>
    %reduce_sum3A_471 = arith.constant dense<0.000000e+00> : vector<200xf32>
    %reduce_sum3A_472 = vector.multi_reduction <add>, %integer_pow3A_470, %reduce_sum3A_471 [1] : vector<200x128xf32> to vector<200xf32>
    %broadcast_in_dim3A_473 = vector.shape_cast %reduce_sum3A_472 : vector<200xf32> to vector<200x1xf32>
    %div3A_474 = arith.constant 1.280000e+02 : f32
    %div3A_475 = vector.broadcast %div3A_474 : f32 to vector<200x1xf32>
    %div3A_476 = arith.divf %broadcast_in_dim3A_473, %div3A_475 : vector<200x1xf32>
    %sub3A_477 = vector.broadcast %div3A_467 : vector<200x1xf32> to vector<200x128xf32>
    %sub3A_478 = arith.subf %add3A_461, %sub3A_477 : vector<200x128xf32>
    %add3A_479 = arith.constant 9.99999974E-6 : f32
    %add3A_480 = vector.broadcast %add3A_479 : f32 to vector<200x1xf32>
    %add3A_481 = arith.addf %div3A_476, %add3A_480 : vector<200x1xf32>
    %sqrt3A_482 = math.sqrt %add3A_481 : vector<200x1xf32>
    %div3A_483 = vector.broadcast %sqrt3A_482 : vector<200x1xf32> to vector<200x128xf32>
    %div3A_484 = arith.divf %sub3A_478, %div3A_483 : vector<200x128xf32>
    %get3A_485 = arith.constant 0 : index
    %get3A_486 = arith.constant 0 : index
    %get3A_487 = vector.load %arg9[%get3A_485, %get3A_486] : memref<1x128xf32, #tpu.memory_space<vmem>>, vector<1x128xf32>
    %mul3A_488 = vector.broadcast %get3A_487 : vector<1x128xf32> to vector<200x128xf32>
    %mul3A_489 = arith.mulf %div3A_484, %mul3A_488 : vector<200x128xf32>
    %get3A_490 = arith.constant 0 : index
    %get3A_491 = arith.constant 0 : index
    %get3A_492 = vector.load %arg10[%get3A_490, %get3A_491] : memref<1x128xf32, #tpu.memory_space<vmem>>, vector<1x128xf32>
    %add3A_493 = vector.broadcast %get3A_492 : vector<1x128xf32> to vector<200x128xf32>
    %add3A_494 = arith.addf %mul3A_489, %add3A_493 : vector<200x128xf32>
    %get3A_495 = arith.constant 0 : index
    %get3A_496 = arith.constant 0 : index
    %get3A_497 = vector.load %arg13[%get3A_495, %get3A_496] : memref<128x256xf32, #tpu.memory_space<vmem>>, vector<128x256xf32>
    %dot_general3A_498 = arith.constant dense<0.000000e+00> : vector<200x256xf32>
    %dot_general3A_499 = tpu.matmul %add3A_494, %get3A_497, %dot_general3A_498 {dimension_numbers = #tpu.dot_dimension_numbers<[1], [0], [0], [1], [0, 0, 1, 1], [], []>, transpose_lhs_hint = false} : vector<200x128xf32>, vector<128x256xf32>, vector<200x256xf32> -> vector<200x256xf32>
    %get3A_500 = arith.constant 0 : index
    %get3A_501 = arith.constant 0 : index
    %get3A_502 = vector.load %arg14[%get3A_500, %get3A_501] : memref<1x256xf32, #tpu.memory_space<vmem>>, vector<1x256xf32>
    %add3A_503 = vector.broadcast %get3A_502 : vector<1x256xf32> to vector<200x256xf32>
    %add3A_504 = arith.addf %dot_general3A_499, %add3A_503 : vector<200x256xf32>
    %max3A_505 = arith.constant 0.000000e+00 : f32
    %max3A_506 = vector.broadcast %max3A_505 : f32 to vector<200x256xf32>
    %max3A_507 = arith.maximumf %add3A_504, %max3A_506 : vector<200x256xf32>
    %get3A_508 = arith.constant 0 : index
    %get3A_509 = arith.constant 0 : index
    %get3A_510 = vector.load %arg15[%get3A_508, %get3A_509] : memref<256x128xf32, #tpu.memory_space<vmem>>, vector<256x128xf32>
    %dot_general3A_511 = arith.constant dense<0.000000e+00> : vector<200x128xf32>
    %dot_general3A_512 = tpu.matmul %max3A_507, %get3A_510, %dot_general3A_511 {dimension_numbers = #tpu.dot_dimension_numbers<[1], [0], [0], [1], [0, 0, 1, 1], [], []>, transpose_lhs_hint = false} : vector<200x256xf32>, vector<256x128xf32>, vector<200x128xf32> -> vector<200x128xf32>
    %get3A_513 = arith.constant 0 : index
    %get3A_514 = arith.constant 0 : index
    %get3A_515 = vector.load %arg16[%get3A_513, %get3A_514] : memref<1x128xf32, #tpu.memory_space<vmem>>, vector<1x128xf32>
    %add3A_516 = vector.broadcast %get3A_515 : vector<1x128xf32> to vector<200x128xf32>
    %add3A_517 = arith.addf %dot_general3A_512, %add3A_516 : vector<200x128xf32>
    %add3A_518 = arith.addf %add3A_494, %add3A_517 : vector<200x128xf32>
    %reduce_sum3A_519 = arith.constant dense<0.000000e+00> : vector<200xf32>
    %reduce_sum3A_520 = vector.multi_reduction <add>, %add3A_518, %reduce_sum3A_519 [1] : vector<200x128xf32> to vector<200xf32>
    %broadcast_in_dim3A_521 = vector.shape_cast %reduce_sum3A_520 : vector<200xf32> to vector<200x1xf32>
    %div3A_522 = arith.constant 1.280000e+02 : f32
    %div3A_523 = vector.broadcast %div3A_522 : f32 to vector<200x1xf32>
    %div3A_524 = arith.divf %broadcast_in_dim3A_521, %div3A_523 : vector<200x1xf32>
    %sub3A_525 = vector.broadcast %div3A_524 : vector<200x1xf32> to vector<200x128xf32>
    %sub3A_526 = arith.subf %add3A_518, %sub3A_525 : vector<200x128xf32>
    %integer_pow3A_527 = arith.mulf %sub3A_526, %sub3A_526 : vector<200x128xf32>
    %reduce_sum3A_528 = arith.constant dense<0.000000e+00> : vector<200xf32>
    %reduce_sum3A_529 = vector.multi_reduction <add>, %integer_pow3A_527, %reduce_sum3A_528 [1] : vector<200x128xf32> to vector<200xf32>
    %broadcast_in_dim3A_530 = vector.shape_cast %reduce_sum3A_529 : vector<200xf32> to vector<200x1xf32>
    %div3A_531 = arith.constant 1.280000e+02 : f32
    %div3A_532 = vector.broadcast %div3A_531 : f32 to vector<200x1xf32>
    %div3A_533 = arith.divf %broadcast_in_dim3A_530, %div3A_532 : vector<200x1xf32>
    %sub3A_534 = vector.broadcast %div3A_524 : vector<200x1xf32> to vector<200x128xf32>
    %sub3A_535 = arith.subf %add3A_518, %sub3A_534 : vector<200x128xf32>
    %add3A_536 = arith.constant 9.99999974E-6 : f32
    %add3A_537 = vector.broadcast %add3A_536 : f32 to vector<200x1xf32>
    %add3A_538 = arith.addf %div3A_533, %add3A_537 : vector<200x1xf32>
    %sqrt3A_539 = math.sqrt %add3A_538 : vector<200x1xf32>
    %div3A_540 = vector.broadcast %sqrt3A_539 : vector<200x1xf32> to vector<200x128xf32>
    %div3A_541 = arith.divf %sub3A_535, %div3A_540 : vector<200x128xf32>
    %get3A_542 = arith.constant 0 : index
    %get3A_543 = arith.constant 0 : index
    %get3A_544 = vector.load %arg11[%get3A_542, %get3A_543] : memref<1x128xf32, #tpu.memory_space<vmem>>, vector<1x128xf32>
    %mul3A_545 = vector.broadcast %get3A_544 : vector<1x128xf32> to vector<200x128xf32>
    %mul3A_546 = arith.mulf %div3A_541, %mul3A_545 : vector<200x128xf32>
    %get3A_547 = arith.constant 0 : index
    %get3A_548 = arith.constant 0 : index
    %get3A_549 = vector.load %arg12[%get3A_547, %get3A_548] : memref<1x128xf32, #tpu.memory_space<vmem>>, vector<1x128xf32>
    %add3A_550 = vector.broadcast %get3A_549 : vector<1x128xf32> to vector<200x128xf32>
    %add3A_551 = arith.addf %mul3A_546, %add3A_550 : vector<200x128xf32>
    %swap3A_552 = arith.constant 1 : index
    %swap3A_553 = arith.constant 0 : index
    %swap3A_554 = arith.constant 0 : index
    %swap3A_555 = vector.load %arg20[%swap3A_552, %swap3A_553, %swap3A_554] : memref<2x200x128xf32, #tpu.memory_space<vmem>>, vector<1x200x128xf32>
    %swap3A_556 = vector.shape_cast %swap3A_555 : vector<1x200x128xf32> to vector<200x128xf32>
    %swap3A_557 = vector.shape_cast %add3A_551 : vector<200x128xf32> to vector<1x200x128xf32>
    tpu.vector_store %arg20[%swap3A_552, %swap3A_553, %swap3A_554], %swap3A_557 {strides = array<i32>} : memref<2x200x128xf32, #tpu.memory_space<vmem>>, vector<1x200x128xf32>,
    return
  }
  func.func @transform_0(%arg0: i32) -> (i32, i32, i32) {
    %c0_i32 = arith.constant 0 : i32
    %c0_i32_0 = arith.constant 0 : i32
    %c0_i32_1 = arith.constant 0 : i32
    return %c0_i32, %arg0, %c0_i32_0 : i32, i32, i32
  }
  func.func @transform_1(%arg0: i32) -> (i32, i32, i32) {
    %c0_i32 = arith.constant 0 : i32
    %c0_i32_0 = arith.constant 0 : i32
    %c0_i32_1 = arith.constant 0 : i32
    return %c0_i32, %arg0, %c0_i32_0 : i32, i32, i32
  }
  func.func @transform_2(%arg0: i32) -> (i32, i32, i32) {
    %c0_i32 = arith.constant 0 : i32
    %c0_i32_0 = arith.constant 0 : i32
    %c0_i32_1 = arith.constant 0 : i32
    return %c0_i32, %arg0, %c0_i32_0 : i32, i32, i32
  }
  func.func @transform_3(%arg0: i32) -> (i32, i32, i32) {
    %c0_i32 = arith.constant 0 : i32
    %c0_i32_0 = arith.constant 0 : i32
    %c0_i32_1 = arith.constant 0 : i32
    return %c0_i32, %arg0, %c0_i32_0 : i32, i32, i32
  }
  func.func @transform_4(%arg0: i32) -> (i32, i32) {
    %c0_i32 = arith.constant 0 : i32
    %c0_i32_0 = arith.constant 0 : i32
    %c0_i32_1 = arith.constant 0 : i32
    return %c0_i32, %c0_i32_0 : i32, i32
  }
  func.func @transform_5(%arg0: i32) -> (i32, i32) {
    %c0_i32 = arith.constant 0 : i32
    %c0_i32_0 = arith.constant 0 : i32
    %c0_i32_1 = arith.constant 0 : i32
    return %c0_i32, %c0_i32_0 : i32, i32
  }
  func.func @transform_6(%arg0: i32) -> (i32, i32) {
    %c0_i32 = arith.constant 0 : i32
    %c0_i32_0 = arith.constant 0 : i32
    %c0_i32_1 = arith.constant 0 : i32
    return %c0_i32, %c0_i32_0 : i32, i32
  }
  func.func @transform_7(%arg0: i32) -> (i32, i32) {
    %c0_i32 = arith.constant 0 : i32
    %c0_i32_0 = arith.constant 0 : i32
    %c0_i32_1 = arith.constant 0 : i32
    return %c0_i32, %c0_i32_0 : i32, i32
  }
  func.func @transform_8(%arg0: i32) -> (i32, i32) {
    %c0_i32 = arith.constant 0 : i32
    %c0_i32_0 = arith.constant 0 : i32
    %c0_i32_1 = arith.constant 0 : i32
    return %c0_i32, %c0_i32_0 : i32, i32
  }
  func.func @transform_9(%arg0: i32) -> (i32, i32) {
    %c0_i32 = arith.constant 0 : i32
    %c0_i32_0 = arith.constant 0 : i32
    %c0_i32_1 = arith.constant 0 : i32
    return %c0_i32, %c0_i32_0 : i32, i32
  }
  func.func @transform_10(%arg0: i32) -> (i32, i32) {
    %c0_i32 = arith.constant 0 : i32
    %c0_i32_0 = arith.constant 0 : i32
    %c0_i32_1 = arith.constant 0 : i32
    return %c0_i32, %c0_i32_0 : i32, i32
  }
  func.func @transform_11(%arg0: i32) -> (i32, i32) {
    %c0_i32 = arith.constant 0 : i32
    %c0_i32_0 = arith.constant 0 : i32
    %c0_i32_1 = arith.constant 0 : i32
    return %c0_i32, %c0_i32_0 : i32, i32
  }
  func.func @transform_12(%arg0: i32) -> (i32, i32) {
    %c0_i32 = arith.constant 0 : i32
    %c0_i32_0 = arith.constant 0 : i32
    %c0_i32_1 = arith.constant 0 : i32
    return %c0_i32, %c0_i32_0 : i32, i32
  }
  func.func @transform_13(%arg0: i32) -> (i32, i32) {
    %c0_i32 = arith.constant 0 : i32
    %c0_i32_0 = arith.constant 0 : i32
    %c0_i32_1 = arith.constant 0 : i32
    return %c0_i32, %c0_i32_0 : i32, i32
  }
  func.func @transform_14(%arg0: i32) -> (i32, i32) {
    %c0_i32 = arith.constant 0 : i32
    %c0_i32_0 = arith.constant 0 : i32
    %c0_i32_1 = arith.constant 0 : i32
    return %c0_i32, %c0_i32_0 : i32, i32
  }
  func.func @transform_15(%arg0: i32) -> (i32, i32) {
    %c0_i32 = arith.constant 0 : i32
    %c0_i32_0 = arith.constant 0 : i32
    %c0_i32_1 = arith.constant 0 : i32
    return %c0_i32, %c0_i32_0 : i32, i32
  }
  func.func @transform_16(%arg0: i32) -> (i32, i32) {
    %c0_i32 = arith.constant 0 : i32
    %c0_i32_0 = arith.constant 0 : i32
    %c0_i32_1 = arith.constant 0 : i32
    return %c0_i32, %c0_i32_0 : i32, i32
  }
  func.func @transform_17(%arg0: i32) -> (i32, i32) {
    %c0_i32 = arith.constant 0 : i32
    %c0_i32_0 = arith.constant 0 : i32
    %c0_i32_1 = arith.constant 0 : i32
    return %c0_i32, %c0_i32_0 : i32, i32
  }
  func.func @transform_18(%arg0: i32) -> (i32, i32) {
    %c0_i32 = arith.constant 0 : i32
    %c0_i32_0 = arith.constant 0 : i32
    %c0_i32_1 = arith.constant 0 : i32
    return %c0_i32, %c0_i32_0 : i32, i32
  }
  func.func @transform_19(%arg0: i32) -> (i32, i32, i32) {
    %c0_i32 = arith.constant 0 : i32
    %c0_i32_0 = arith.constant 0 : i32
    %c0_i32_1 = arith.constant 0 : i32
    return %c0_i32, %arg0, %c0_i32_0 : i32, i32, i32
  }
}

</mosaic_0001>

<sc_bundles>
// kernel: kernel.5.cloned.1.call-start
scs
__scs_entry_jumppad:
0x0: {  	(pc) =	sbr.rel $0x88, $3  }
0x1: {  	(tag) =	ssettag $0x0;
	lr =	simm.s32 $0x1  }
0x2: {  	[smem:$0x3F8B] =	sst lr;
	_ =	strace $0xD0000000  }
0x3: {  	_ = 	snop  }
0x4: {  	_ = 	snop  }
0x5: {  	_ = 	snop  }
0x6: {  	_ = 	snop  }
0x7: {  	_ = 	snop  }
__scs_overlays_trampoline_lowered:
0x8: {  	[smem:$0x3F9A] =	sst s0  }
0x9: {  	[smem:$0x3F9B] =	sst s1  }
0xa: {  	[smem:$0x3F9C] =	sst s2  }
0xb: {  	[smem:$0x3F9D] =	sst s3  }
0xc: {  	[smem:$0x3F9E] =	sst s4  }
0xd: {  	[smem:$0x3F9F] =	sst s5  }
0xe: {  	[smem:$0x3FA0] =	sst s6  }
0xf: {  	[smem:$0x3FA1] =	sst s7  }
0x10: {  	[smem:$0x3FA2] =	sst s8  }
0x11: {  	[smem:$0x3FA3] =	sst s9;
	s0 =	simm.s32 @!p0 $0x0  }
0x12: {  	s1 =	sld [smem:$0x3F89];
	s0 =	simm.s32 @p0 $0x1  }
0x13: {  	[smem:$0x3FA4] =	sst s0;
	s0 =	simm.s32 @!p1 $0x0  }
0x14: {  	s2 =	sld [smem:$0x3F88];
	s0 =	simm.s32 @p1 $0x1  }
0x15: {  	[smem:$0x3FA5] =	sst s0;
	s0 =	simm.s32 @!p2 $0x0  }
0x16: {  	s3 =	sld [smem:$0x3FDB];
	s0 =	simm.s32 @p2 $0x1  }
0x17: {  	s4 =	simm.s32 $0x1BF5;
	[smem:$0x3FA7] =	sst s0  }
0x18: {  	s0 =	sld [smem:$0x3F8A];
	_ =	swait.ge [sflag:s4], $0x0  }
0x19: {  	s7 =	sld [smem:$0x3F8B]  }
0x1a: {  	s8 =	sadd.s32 $0xFFFFE003, lr  }
0x1b: {  	s9 =	sadd.s32 $0xFFFFFEF7, lr;
	s5 =	simm.s32 $0xFFFFFFFF;
	p2 =	slt.u32 s8, $0xFFFFF086  }
0x1c: {  	p1 =	slt.u32 s9, $0xF7A;
	s5 =	simm.s32 @!p2 $0x0  }
0x1d: {  	s5 =	simm.s32 @p1 $0x1;
	p0 =	seq.s32 s7, s2  }
0x1e: {  	s7 =	smul.u32 @!p0 $0xF7A, s2;
	p2 =	seq.s32 @!p0 s5, $0x0  }
0x1f: {  	s9 =	smul.u32 $0xF7A, s1;
	s8 =	simm.s32 @!p0 $0x1BF5;
	p2 =	por !p2, p0  }
0x20: {  	[sflag:s8] =	ssyncset.s32 @!p0 $0xFFFFF086;
	s6 =	sadd.s32 @!p0 s3, s7;
	s7 =	simm.s32 @!p0 $0x108  }
0x21: {  	s3 =	sadd.s32 s3, s9;
	s6 =	sadd.s32 @!p0 $0x88, s6;
	s7 =	simm.s32 @p2 $0x1082  }
0x22: {  	[simem:s7], [sflag:s8] =	dma.local @!p0 [hbm:s6], $0xF7A  }
0x23: {  	s9 =	sor.u32 $0xD0000000, s2;
	s6 =	simm.s32 $0x108;
	_ =	swait.ge @!p0 [sflag:s8], $0x0  }
0x24: {  	s3 =	sadd.s32 $0x88, s3;
	s6 =	simm.s32 @!p1 $0x1082;
	[sflag:s4] =	ssyncset.s32 $0xFFFFF086  }
0x25: {  	[simem:s6], [sflag:s4] =	dma.local [hbm:s3], $0xF7A  }
0x26: {  	[smem:$0x3F8B] =	sst s1;
	(tag) =	ssettag s2;
	_ =	strace s9  }
0x27: {  	s1 =	sld [smem:$0x3F9B]  }
0x28: {  	s2 =	sld [smem:$0x3F9C]  }
0x29: {  	s4 =	sld [smem:$0x3F9E]  }
0x2a: {  	p0 =	seq.s32 s5, $0x0;
	s5 =	sld [smem:$0x3F9F]  }
0x2b: {  	s6 =	sld [smem:$0x3FA0]  }
0x2c: {  	s7 =	sld [smem:$0x3FA1]  }
0x2d: {  	s3 =	simm.s32 $0x108;
	s8 =	sld [smem:$0x3FA2]  }
0x2e: {  	s3 =	simm.s32 @!p0 $0x1082;
	s9 =	sld [smem:$0x3FA3]  }
0x2f: {  	lr =	sadd.s32 s0, s3;
	s0 =	sld [smem:$0x3F9A]  }
0x30: {  	s3 =	sld [smem:$0x3F9D]  }
0x31: {  	[smem:$0x3FA6] =	sst s10  }
0x32: {  	s10 =	sld [smem:$0x3FA4];
	_ =	sdelay $0x3  }
0x33: {  	p0 =	seq.s32 s10, $0x1;
	s10 =	sld [smem:$0x3FA6];
	_ =	sdelay $0x3  }
0x34: {  	[smem:$0x3FA6] =	sst s10  }
0x35: {  	s10 =	sld [smem:$0x3FA5];
	_ =	sdelay $0x3  }
0x36: {  	p1 =	seq.s32 s10, $0x1;
	s10 =	sld [smem:$0x3FA6];
	_ =	sdelay $0x3  }
0x37: {  	[smem:$0x3FA6] =	sst s10  }
0x38: {  	s10 =	sld [smem:$0x3FA7]  }
0x39: {  	_ = 	snop;
	(pc) =	sbr.ind lr, $3  }
0x3a: {  	_ = 	snop  }
0x3b: {  	_ = 	snop  }
0x3c: {  	p2 =	seq.s32 s10, $0x1;
	s10 =	sld [smem:$0x3FA6]  }
0x3d: {  	_ =	shalt  }
0x3e: {  	_ =	shalt  }
0x3f: {  	_ =	shalt  }
0x40: {  	_ =	shalt  }
0x41: {  	_ =	shalt  }
0x42: {  	_ =	shalt  }
0x43: {  	_ =	shalt  }
0x44: {  	_ =	shalt  }
0x45: {  	_ =	shalt  }
0x46: {  	_ =	shalt  }
0x47: {  	_ =	shalt  }
0x48: {  	_ =	shalt  }
0x49: {  	_ =	shalt  }
0x4a: {  	_ =	shalt  }
0x4b: {  	_ =	shalt  }
0x4c: {  	_ =	shalt  }
0x4d: {  	_ =	shalt  }
0x4e: {  	_ =	shalt  }
0x4f: {  	_ =	shalt  }
0x50: {  	_ =	shalt  }
0x51: {  	_ =	shalt  }
0x52: {  	_ =	shalt  }
0x53: {  	_ =	shalt  }
0x54: {  	_ =	shalt  }
0x55: {  	_ =	shalt  }
0x56: {  	_ =	shalt  }
0x57: {  	_ =	shalt  }
0x58: {  	_ =	shalt  }
0x59: {  	_ =	shalt  }
0x5a: {  	_ =	shalt  }
0x5b: {  	_ =	shalt  }
0x5c: {  	_ =	shalt  }
0x5d: {  	_ =	shalt  }
0x5e: {  	_ =	shalt  }
0x5f: {  	_ =	shalt  }
0x60: {  	_ =	shalt  }
0x61: {  	_ =	shalt  }
0x62: {  	_ =	shalt  }
0x63: {  	_ =	shalt  }
0x64: {  	_ =	shalt  }
0x65: {  	_ =	shalt  }
0x66: {  	_ =	shalt  }
0x67: {  	_ =	shalt  }
0x68: {  	_ =	shalt  }
0x69: {  	_ =	shalt  }
0x6a: {  	_ =	shalt  }
0x6b: {  	_ =	shalt  }
0x6c: {  	_ =	shalt  }
0x6d: {  	_ =	shalt  }
0x6e: {  	_ =	shalt  }
0x6f: {  	_ =	shalt  }
0x70: {  	_ =	shalt  }
0x71: {  	_ =	shalt  }
0x72: {  	_ =	shalt  }
0x73: {  	_ =	shalt  }
0x74: {  	_ =	shalt  }
0x75: {  	_ =	shalt  }
0x76: {  	_ =	shalt  }
0x77: {  	_ =	shalt  }
0x78: {  	_ =	shalt  }
0x79: {  	_ =	shalt  }
0x7a: {  	_ =	shalt  }
0x7b: {  	_ =	shalt  }
0x7c: {  	_ =	shalt  }
0x7d: {  	_ =	shalt  }
0x7e: {  	_ =	shalt  }
0x7f: {  	_ =	shalt  }
0x80: {  	_ =	shalt  }
0x81: {  	_ =	shalt  }
0x82: {  	_ =	shalt  }
0x83: {  	_ =	shalt  }
0x84: {  	_ =	shalt  }
0x85: {  	_ =	shalt  }
0x86: {  	_ =	shalt  }
0x87: {  	_ =	shalt  }
.Lfunc_end0:
.L_simem_size_0:
called_computation_lowered:
.L_overlay_start_0:
0x88: {  	s2 =	sld [smem:$0x3FD9]  }
0x89: {  	s3 =	sld [smem:$0x3FFE];
	_ =	sdelay $0x1  }
0x8a: {  	s1 =	srdreg.scid  }
0x8b: {  	s0 =	sand.u32 $0x1, s1  }
0x8c: {  	s17 =	sshll.u32 s0, $0xA;
	s2 =	sadd.s32 s3, s2  }
0x8d: {  	s2 =	sadd.s32 s2, s17  }
0x8e: {  	[smem:$0x3FB2] =	sst s2  }
0x8f: {  	_ = 	snop  }
0x90: {  	s2 =	sld [smem:$0x3FD0];
	(tm) =	ssettm $0x1  }
0x91: {  	s18 =	sld [smem:$0x3FFB];
	_ =	sdelay $0x3  }
0x92: {  	_ =	strace s18  }
0x93: {  	s3 =	sld [smem:$0x3FFC];
	_ =	sdelay $0x3  }
0x94: {  	_ =	strace s3  }
0x95: {  	s3 =	sld [smem:$0x3FFD];
	_ =	sdelay $0x3  }
0x96: {  	_ =	strace s3  }
0x97: {  	_ =	strace $0x8FFFFFFF  }
0x98: {  	s19 =	sld [smem:$0x3FDB];
	_ =	sdelay $0x1  }
0x99: {  	s4 =	simm.s32 $_scs_section_size  }
0x9a: {  	s5 =	simm.s32 $_size__tile_overlayer_lowered;
	s6 =	simm.s32 $_tile_overlayer_lowered  }
0x9b: {  	s22 =	simm.s32 $0x1BFF;
	s21 =	sshll.u32 s6, $0x1;
	s3 =	sadd.s32 s4, s19  }
0x9c: {  	s7 =	simm.s32 $0x0;
	s20 =	sshll.u32 s5, $0x1;
	s5 =	sadd.s32 s21, s3  }
0x9d: {  	[timem:s7], [sflag:s22] =	dma.local [hbm:s5], s20  }
0x9e: {  	_ =	swait.ge [sflag:s22], s20  }
0x9f: {  	s4 =	ssub.s32 $0x0, s20;
	[sflag:s22] =	ssyncset.done $0x0  }
0xa0: {  	[sflag:s22] =	ssyncadd.s32 s4;
	_ =	sdelay $0x1  }
0xa1: {  	s23 =	simm.s32 $0x1B8B  }
0xa2: {  	_ =	swait.ge [sflag:s23], $0x1  }
0xa3: {  	[sflag:s23] =	ssyncset.done $0x0  }
0xa4: {  	s25 =	simm.s32 $0x1B8E;
	s24 =	sld [smem:$0x3FFE];
	[sflag:s23] =	ssyncadd.s32 $0xFFFFFFFF  }
0xa5: {  	s26 =	simm.s32 $execute0_lowered;
	[smem:$0x3FD2] =	sst s25  }
0xa6: {  	s5 =	sshll.u32 s26, $0x1;
	_ =	strace $0x80000046;
	[dreg:$0x1] =	wrdreg $0xFFFFFFFF  }
0xa7: {  	s28 =	simm.s32 $_size_execute0_lowered;
	s3 =	sadd.s32 s3, s5;
	[dreg:$0x0] =	wrdreg $0x0  }
0xa8: {  	s5 =	sshll.u32 s28, $0x1;
	[dreg:$0x2] =	wrdreg s3  }
0xa9: {  	[dreg:$0x3] =	wrdreg s5  }
0xaa: {  	[dreg:$0x4] =	wrdreg $0xC0  }
0xab: {  	_ =	task [dreg:s7], $0x5FFFF  }
0xac: {  	[dreg:$0x1] =	wrdreg $0xFFFFFFFF  }
0xad: {  	[dreg:$0x0] =	wrdreg $0x60  }
0xae: {  	[dreg:$0x2] =	wrdreg s2  }
0xaf: {  	[dreg:$0x3] =	wrdreg s24  }
0xb0: {  	[dreg:$0x4] =	wrdreg $0x9  }
0xb1: {  	_ =	task.clear_ibuf [dreg:s7], $0x5FFFF;
	_ =	strace $0x90000046  }
0xb2: {  	s29 =	simm.s32 $0x9;
	_ =	strace $0x80000048  }
0xb3: {  	_ =	swait.ge [sflag:s29], $0x1  }
0xb4: {  	[sflag:s29] =	ssyncadd.s32 $0xFFFFFFFF  }
0xb5: {  	_ =	strace $0x90000048  }
0xb6: {  	_ =	sfence  }
0xb7: {  	s30 =	sld [smem:$0x0];
	_ =	sdelay $0x2  }
0xb8: {  	s31 =	sshll.u32 s1, $0xD;
	s1 =	sshrl.u32 s1, $0x2  }
0xb9: {  	s3 =	sand.u32 $0x4000, s31;
	s1 =	sadd.s32 s1, s30  }
0xba: {  	s0 =	sor.u32 s3, s0;
	s1 =	sshll.u32 s1, $0x11  }
0xbb: {  	s0 =	sor.u32 s1, s0  }
0xbc: {  	s0 =	sadd.s32 $0x8F2B, s0  }
0xbd: {  	[sflag:s0] =	ssyncadd.remote.s32 $0x1  }
0xbe: {  	_ =	sfence.sel $0xFFFF  }
0xbf: {  	[dreg:$0x0] =	wrdreg $0xFFFFFFFF;
	(pc) =	sbr.abs _section_cstart, $3  }
0xc0: {  	[dreg:$0x1] =	wrdreg $0xFFFFFFFF  }
0xc1: {  	_ =	task.clear_ibuf [dreg:s7], $0x2FFFF;
	_ =	strace $0x9FFFFFFF  }
0xc2: {  	(tm) =	ssettm $0x7FFFFFFF  }
0xc3: {  	_ =	shalt  }
tec
execute0_lowered:
.L_overlay_start_1:
0x0: {  	(tag) =	ssettag $0x1  }
0x1: {  	s0 =	srdreg.scid  }
0x2: {  	s6 =	stileid.u32;
	s2 =	rddreg [dreg:$0x0]  }
0x3: {  	s4 =	rddreg [dreg:$0x1];
	s3 =	simm.s32 $0x0;
	s21 =	simm.s32 $0x7400  }
0x4: {  	s22 =	simm.s32 $0x7C00;
	s23 =	simm.s32 $0x8400;
	s24 =	simm.s32 $0x8C00  }
0x5: {  	s28 =	simm.s32 $0xA400;
	s29 =	simm.s32 $0xAC00;
	s30 =	simm.s32 $0xB400  }
0x6: {  	s31 =	simm.s32 $0xBC00;
	s10 =	simm.s32 $0xE400;
	s11 =	simm.s32 $0xEC00  }
0x7: {  	s12 =	simm.s32 $0xF400;
	s13 =	simm.s32 $0xFC00;
	s14 =	simm.s32 $0x10400  }
0x8: {  	s15 =	simm.s32 $0x10C00;
	s16 =	simm.s32 $0x1;
	s17 =	simm.s32 $0x2  }
0x9: {  	s19 =	simm.s32 $0x0;
	s0 =	sand.u32 $0x1, s0;
	s5 =	smul.u32 $0x50000, s6  }
0xa: {  	s1 =	sshll.u32 s6, $0x1;
	[smem:$0x7FF] =	sst s3;
	s6 =	smul.u32 $0x280000, s6  }
0xb: {  	s1 =	sor.u32 s0, s1;
	s7 =	ssub.s32 $0x2, s0;
	s8 =	smul.u32 $0x140000, s0  }
0xc: {  	_ =	strace $0x80000047;
	s1 =	smul.u32 $0x1400, s1;
	s9 =	sshrl.u32 s7, $0x1  }
0xd: {  	s0 =	smul.u32 $0x28000, s0;
	s7 =	ssub.s32 s7, s9;
	s6 =	sadd.s32 s8, s6  }
0xe: {  	s8 =	simm.s32 $0x3;
	s9 =	simm.s32 $0x1400;
	s1 =	sshrl.u32 s1, $0x3  }
0xf: {  	s25 =	sshrl.u32 s6, $0x3;
	s26 =	smax.u32 s7, $0x1;
	s1 =	sadd.s32 s1, s4  }
.Ltmp0:
0x10: {  	s4 =	sadd.s32 $0x8800, s4;
	[dreg:$0x4] =	wrdreg s26;
	(pc) =	sbr.rel .LBB2_1-.Ltmp0, $4  }
0x11: {  	s26 =	simm.s32 $0x9C00;
	s5 =	sadd.s32 s5, s4;
	s1 =	sadd.s32 $0x3800, s1  }
0x12: {  	v2 =	vlaneseq.u32;
	s7 =	sadd.s32 s25, s4;
	s25 =	simm.s32 $0x9400;
	s4 =	simm.s32 $0xD400  }
0x13: {  	vm0 =	vmmov $0xffff;
	v1 =	vshrl.u32 v2, $0x3;
	[dreg:$0x3] =	wrdreg s1;
	s0 =	sadd.s32 s0, s5;
	s1 =	simm.s32 $0xC400  }
0x14: {  	v0 =	vand.u32 $0x7, v2;
	v2 =	vor.u32 $0x8, v2;
	v1 =	vmul.u32 $0x8, v1;
	s5 =	simm.s32 $0xDC00;
	s6 =	sadd.s32 $0x1000, s0;
	s0 =	simm.s32 $0xCC00  }
.LBB2_5:
0x15: {  	s19 =	rddreg [dreg:$0x5]  }
0x16: {  	s18 =	rddreg [dreg:$0x4];
	s19 =	sadd.s32 $0x1, s19  }
0x17: {  	p0 =	sne.s32 s19, s18  }
.Ltmp1:
0x18: {  	_ = 	snop;
	(pc) =	sbr.rel @!p0 .LBB2_6-.Ltmp1, $1  }
0x19: {  	_ =	sdelay $0x3  }
.LBB2_1:
0x1a: {  	[dreg:$0x5] =	wrdreg s19  }
0x1b: {  	s18 =	rddreg [dreg:$0x3]  }
0x1c: {  	[tilespmem:s3], [sflag:$0x3] =	stream.linear.gather [hbm4b:s18+s3], $0x1400, $0x38;
	[tilespmem:$0x11400] =	vst v63  }
0x1d: {  	_ =	swait.ge [sflag:s8], $0x1400  }
0x1e: {  	[sflag:s8] =	ssyncset.done $0x0  }
0x1f: {  	[sflag:s8] =	ssyncadd.s32 $0xFFFFEC00  }
0x20: {  	v3 =	vld [tilespmem:$0x0];
	_ =	sdelay $0x4  }
0x21: {  	v4 =	vshll.u32 v3, $0x1  }
0x22: {  	v3 =	vand.u32 $0x7, v3;
	v4 =	vand.u32 $0xFFFFFFF0, v4  }
0x23: {  	v3 =	vor.u32 v3, v4  }
0x24: {  	v4 =	vperm.xlane v3, v0;
	_ =	sdelay $0x1  }
0x25: {  	v3 =	vperm.xlane v3, v2;
	v4 =	vadd.s32 v1, v4;
	_ =	sdelay $0x1  }
0x26: {  	v3 =	vadd.s32 v1, v3;
	_ =	sdelay $0x2  }
0x27: {  	[tilespmem:s9], [sflag:$0x1] =	stream.indirect_vreg.gather [hbm4b:s2+s3], $0x80, v4, vm0, $0xb8;
	[tilespmem:$0x11400] =	vst v63  }
0x28: {  	s20 =	simm.s32 $0x1C00  }
0x29: {  	[tilespmem:s20], [sflag:$0x1] =	stream.indirect_vreg.gather [hbm4b:s2+s3], $0x80, v3, vm0, $0xb8;
	[tilespmem:$0x11400] =	vst v63  }
0x2a: {  	v3 =	vld [tilespmem:$0x10];
	_ =	sdelay $0x4  }
0x2b: {  	v57 =	vshll.u32 v3, $0x1  }
0x2c: {  	v3 =	vand.u32 $0x7, v3;
	v4 =	vand.u32 $0xFFFFFFF0, v57  }
0x2d: {  	v3 =	vor.u32 v3, v4  }
0x2e: {  	v4 =	vperm.xlane v3, v0;
	_ =	sdelay $0x1  }
0x2f: {  	v3 =	vperm.xlane v3, v2;
	v4 =	vadd.s32 v1, v4;
	_ =	sdelay $0x1  }
0x30: {  	v3 =	vadd.s32 v1, v3;
	_ =	sdelay $0x1  }
0x31: {  	s19 =	simm.s32 $0x2400  }
0x32: {  	[tilespmem:s19], [sflag:$0x1] =	stream.indirect_vreg.gather [hbm4b:s2+s3], $0x80, v4, vm0, $0xb8;
	[tilespmem:$0x11400] =	vst v63  }
0x33: {  	s20 =	simm.s32 $0x2C00  }
0x34: {  	[tilespmem:s20], [sflag:$0x1] =	stream.indirect_vreg.gather [hbm4b:s2+s3], $0x80, v3, vm0, $0xb8;
	[tilespmem:$0x11400] =	vst v63  }
0x35: {  	v3 =	vld [tilespmem:$0x20];
	_ =	sdelay $0x4  }
0x36: {  	v58 =	vshll.u32 v3, $0x1  }
0x37: {  	v3 =	vand.u32 $0x7, v3;
	v4 =	vand.u32 $0xFFFFFFF0, v58  }
0x38: {  	v3 =	vor.u32 v3, v4  }
0x39: {  	v4 =	vperm.xlane v3, v0;
	_ =	sdelay $0x1  }
0x3a: {  	v3 =	vperm.xlane v3, v2;
	v4 =	vadd.s32 v1, v4;
	_ =	sdelay $0x1  }
0x3b: {  	v3 =	vadd.s32 v1, v3;
	_ =	sdelay $0x1  }
0x3c: {  	s19 =	simm.s32 $0x3400  }
0x3d: {  	[tilespmem:s19], [sflag:$0x1] =	stream.indirect_vreg.gather [hbm4b:s2+s3], $0x80, v4, vm0, $0xb8;
	[tilespmem:$0x11400] =	vst v63  }
0x3e: {  	s20 =	simm.s32 $0x3C00  }
0x3f: {  	[tilespmem:s20], [sflag:$0x1] =	stream.indirect_vreg.gather [hbm4b:s2+s3], $0x80, v3, vm0, $0xb8;
	[tilespmem:$0x11400] =	vst v63  }
0x40: {  	v3 =	vld [tilespmem:$0x30];
	_ =	sdelay $0x4  }
0x41: {  	v59 =	vshll.u32 v3, $0x1  }
0x42: {  	v3 =	vand.u32 $0x7, v3;
	v4 =	vand.u32 $0xFFFFFFF0, v59  }
0x43: {  	v3 =	vor.u32 v3, v4  }
0x44: {  	v4 =	vperm.xlane v3, v0;
	_ =	sdelay $0x1  }
0x45: {  	v3 =	vperm.xlane v3, v2;
	v4 =	vadd.s32 v1, v4;
	_ =	sdelay $0x1  }
0x46: {  	v3 =	vadd.s32 v1, v3;
	_ =	sdelay $0x1  }
0x47: {  	s19 =	simm.s32 $0x4400  }
0x48: {  	[tilespmem:s19], [sflag:$0x1] =	stream.indirect_vreg.gather [hbm4b:s2+s3], $0x80, v4, vm0, $0xb8;
	[tilespmem:$0x11400] =	vst v63  }
0x49: {  	s20 =	simm.s32 $0x4C00  }
0x4a: {  	[tilespmem:s20], [sflag:$0x1] =	stream.indirect_vreg.gather [hbm4b:s2+s3], $0x80, v3, vm0, $0xb8;
	[tilespmem:$0x11400] =	vst v63  }
0x4b: {  	v3 =	vld [tilespmem:$0x40];
	_ =	sdelay $0x4  }
0x4c: {  	v60 =	vshll.u32 v3, $0x1  }
0x4d: {  	v3 =	vand.u32 $0x7, v3;
	v4 =	vand.u32 $0xFFFFFFF0, v60  }
0x4e: {  	v3 =	vor.u32 v3, v4  }
0x4f: {  	v4 =	vperm.xlane v3, v0;
	_ =	sdelay $0x1  }
0x50: {  	v3 =	vperm.xlane v3, v2;
	v4 =	vadd.s32 v1, v4;
	_ =	sdelay $0x1  }
0x51: {  	v3 =	vadd.s32 v1, v3;
	_ =	sdelay $0x1  }
0x52: {  	s19 =	simm.s32 $0x5400  }
0x53: {  	[tilespmem:s19], [sflag:$0x1] =	stream.indirect_vreg.gather [hbm4b:s2+s3], $0x80, v4, vm0, $0xb8;
	[tilespmem:$0x11400] =	vst v63  }
0x54: {  	s20 =	simm.s32 $0x5C00  }
0x55: {  	[tilespmem:s20], [sflag:$0x1] =	stream.indirect_vreg.gather [hbm4b:s2+s3], $0x80, v3, vm0, $0xb8;
	[tilespmem:$0x11400] =	vst v63  }
0x56: {  	v3 =	vld [tilespmem:$0x50];
	_ =	sdelay $0x4  }
0x57: {  	v61 =	vshll.u32 v3, $0x1  }
0x58: {  	v3 =	vand.u32 $0x7, v3;
	v4 =	vand.u32 $0xFFFFFFF0, v61  }
0x59: {  	v3 =	vor.u32 v3, v4  }
0x5a: {  	v4 =	vperm.xlane v3, v0;
	_ =	sdelay $0x1  }
0x5b: {  	v3 =	vperm.xlane v3, v2;
	v4 =	vadd.s32 v1, v4;
	_ =	sdelay $0x1  }
0x5c: {  	v3 =	vadd.s32 v1, v3;
	_ =	sdelay $0x1  }
0x5d: {  	s19 =	simm.s32 $0x6400  }
0x5e: {  	[tilespmem:s19], [sflag:$0x1] =	stream.indirect_vreg.gather [hbm4b:s2+s3], $0x80, v4, vm0, $0xb8;
	[tilespmem:$0x11400] =	vst v63  }
0x5f: {  	s20 =	simm.s32 $0x6C00  }
0x60: {  	[tilespmem:s20], [sflag:$0x1] =	stream.indirect_vreg.gather [hbm4b:s2+s3], $0x80, v3, vm0, $0xb8;
	[tilespmem:$0x11400] =	vst v63  }
0x61: {  	v3 =	vld [tilespmem:$0x60];
	_ =	sdelay $0x4  }
0x62: {  	v62 =	vshll.u32 v3, $0x1  }
0x63: {  	v3 =	vand.u32 $0x7, v3;
	v4 =	vand.u32 $0xFFFFFFF0, v62  }
0x64: {  	v3 =	vor.u32 v3, v4  }
0x65: {  	v4 =	vperm.xlane v3, v0;
	_ =	sdelay $0x1  }
0x66: {  	v3 =	vperm.xlane v3, v2;
	v4 =	vadd.s32 v1, v4;
	_ =	sdelay $0x1  }
0x67: {  	v3 =	vadd.s32 v1, v3;
	_ =	sdelay $0x2  }
0x68: {  	[tilespmem:s21], [sflag:$0x1] =	stream.indirect_vreg.gather [hbm4b:s2+s3], $0x80, v4, vm0, $0xb8;
	[tilespmem:$0x11400] =	vst v63  }
0x69: {  	_ = 	snop  }
0x6a: {  	[tilespmem:s22], [sflag:$0x1] =	stream.indirect_vreg.gather [hbm4b:s2+s3], $0x80, v3, vm0, $0xb8;
	[tilespmem:$0x11400] =	vst v63  }
0x6b: {  	v3 =	vld [tilespmem:$0x70];
	_ =	sdelay $0x4  }
0x6c: {  	v63 =	vshll.u32 v3, $0x1  }
0x6d: {  	v3 =	vand.u32 $0x7, v3;
	v4 =	vand.u32 $0xFFFFFFF0, v63  }
0x6e: {  	v3 =	vor.u32 v3, v4  }
0x6f: {  	v4 =	vperm.xlane v3, v0;
	_ =	sdelay $0x1  }
0x70: {  	v3 =	vperm.xlane v3, v2;
	v4 =	vadd.s32 v1, v4;
	_ =	sdelay $0x1  }
0x71: {  	v3 =	vadd.s32 v1, v3  }
.Ltmp2:
0x72: {  	_ = 	snop;
	(pc) =	sbr.rel .LBB2_2-.Ltmp2, $4  }
0x73: {  	_ = 	snop  }
0x74: {  	[tilespmem:s23], [sflag:$0x1] =	stream.indirect_vreg.gather [hbm4b:s2+s3], $0x80, v4, vm0, $0xb8;
	[tilespmem:$0x11400] =	vst v63  }
0x75: {  	s18 =	simm.s32 $0xC0;
	s19 =	simm.s32 $0x0  }
0x76: {  	[tilespmem:s24], [sflag:$0x1] =	stream.indirect_vreg.gather [hbm4b:s2+s3], $0x80, v3, vm0, $0xb8;
	[tilespmem:$0x11400] =	vst v63  }
.LBB2_4:
0x77: {  	_ =	swait.ge [sflag:s17], $0x8000;
	s20 =	sadd.s32 s19, s6;
	s19 =	sadd.s32 $0x2000, s19  }
0x78: {  	[sflag:s17] =	ssyncset.done $0x0;
	p0 =	sne.s32 s19, $0x28000  }
.Ltmp3:
0x79: {  	[sflag:s17] =	ssyncadd.s32 $0xFFFF8000;
	(pc) =	sbr.rel @!p0 .LBB2_5-.Ltmp3, $4  }
0x7a: {  	[hbm4b:s20+s3] =	stream.linear.scatter [tilespmem:s25], [sflag:$0x3], $0x8000, $0x38;
	[tilespmem:$0x11400] =	vst v63  }
0x7b: {  	_ =	swait.ge [sflag:s8], $0x8000  }
0x7c: {  	[sflag:s8] =	ssyncset.done $0x0  }
0x7d: {  	s18 =	sadd.s32 $0x100, s18;
	[sflag:s8] =	ssyncadd.s32 $0xFFFF8000  }
.LBB2_2:
0x7e: {  	v3 =	vld [tilespmem:s18+$0xFFFFFFC0];
	_ =	sdelay $0x4  }
0x7f: {  	v4 =	vshll.u32 v3, $0x1  }
0x80: {  	v3 =	vand.u32 $0x7, v3;
	v4 =	vand.u32 $0xFFFFFFF0, v4  }
0x81: {  	v3 =	vor.u32 v3, v4  }
0x82: {  	v4 =	vperm.xlane v3, v0;
	_ =	sdelay $0x1  }
0x83: {  	v3 =	vperm.xlane v3, v2;
	v4 =	vadd.s32 v1, v4;
	_ =	sdelay $0x1  }
0x84: {  	v3 =	vadd.s32 v1, v3;
	_ =	sdelay $0x2  }
0x85: {  	[tilespmem:s25], [sflag:$0x2] =	stream.indirect_vreg.gather [hbm4b:s2+s3], $0x80, v4, vm0, $0xb8;
	[tilespmem:$0x11400] =	vst v63  }
0x86: {  	_ = 	snop  }
0x87: {  	[tilespmem:s26], [sflag:$0x2] =	stream.indirect_vreg.gather [hbm4b:s2+s3], $0x80, v3, vm0, $0xb8;
	[tilespmem:$0x11400] =	vst v63  }
0x88: {  	v3 =	vld [tilespmem:s18+$0xFFFFFFD0];
	_ =	sdelay $0x4  }
0x89: {  	v57 =	vshll.u32 v3, $0x1  }
0x8a: {  	v3 =	vand.u32 $0x7, v3;
	v4 =	vand.u32 $0xFFFFFFF0, v57  }
0x8b: {  	v3 =	vor.u32 v3, v4  }
0x8c: {  	v4 =	vperm.xlane v3, v0;
	_ =	sdelay $0x1  }
0x8d: {  	v3 =	vperm.xlane v3, v2;
	v4 =	vadd.s32 v1, v4;
	_ =	sdelay $0x1  }
0x8e: {  	v3 =	vadd.s32 v1, v3;
	_ =	sdelay $0x2  }
0x8f: {  	[tilespmem:s28], [sflag:$0x2] =	stream.indirect_vreg.gather [hbm4b:s2+s3], $0x80, v4, vm0, $0xb8;
	[tilespmem:$0x11400] =	vst v63  }
0x90: {  	_ = 	snop  }
0x91: {  	[tilespmem:s29], [sflag:$0x2] =	stream.indirect_vreg.gather [hbm4b:s2+s3], $0x80, v3, vm0, $0xb8;
	[tilespmem:$0x11400] =	vst v63  }
0x92: {  	v3 =	vld [tilespmem:s18+$0xFFFFFFE0];
	_ =	sdelay $0x4  }
0x93: {  	v58 =	vshll.u32 v3, $0x1  }
0x94: {  	v3 =	vand.u32 $0x7, v3;
	v4 =	vand.u32 $0xFFFFFFF0, v58  }
0x95: {  	v3 =	vor.u32 v3, v4  }
0x96: {  	v4 =	vperm.xlane v3, v0;
	_ =	sdelay $0x1  }
0x97: {  	v3 =	vperm.xlane v3, v2;
	v4 =	vadd.s32 v1, v4;
	_ =	sdelay $0x1  }
0x98: {  	v3 =	vadd.s32 v1, v3;
	_ =	sdelay $0x2  }
0x99: {  	[tilespmem:s30], [sflag:$0x2] =	stream.indirect_vreg.gather [hbm4b:s2+s3], $0x80, v4, vm0, $0xb8;
	[tilespmem:$0x11400] =	vst v63  }
0x9a: {  	_ = 	snop  }
0x9b: {  	[tilespmem:s31], [sflag:$0x2] =	stream.indirect_vreg.gather [hbm4b:s2+s3], $0x80, v3, vm0, $0xb8;
	[tilespmem:$0x11400] =	vst v63  }
0x9c: {  	v3 =	vld [tilespmem:s18+$0xFFFFFFF0];
	_ =	sdelay $0x4  }
0x9d: {  	v59 =	vshll.u32 v3, $0x1  }
0x9e: {  	v3 =	vand.u32 $0x7, v3;
	v4 =	vand.u32 $0xFFFFFFF0, v59  }
0x9f: {  	v3 =	vor.u32 v3, v4  }
0xa0: {  	v4 =	vperm.xlane v3, v0;
	_ =	sdelay $0x1  }
0xa1: {  	v3 =	vperm.xlane v3, v2;
	v4 =	vadd.s32 v1, v4;
	_ =	sdelay $0x1  }
0xa2: {  	v3 =	vadd.s32 v1, v3;
	_ =	sdelay $0x2  }
0xa3: {  	[tilespmem:s1], [sflag:$0x2] =	stream.indirect_vreg.gather [hbm4b:s2+s3], $0x80, v4, vm0, $0xb8;
	[tilespmem:$0x11400] =	vst v63  }
0xa4: {  	_ = 	snop  }
0xa5: {  	[tilespmem:s0], [sflag:$0x2] =	stream.indirect_vreg.gather [hbm4b:s2+s3], $0x80, v3, vm0, $0xb8;
	[tilespmem:$0x11400] =	vst v63  }
0xa6: {  	v3 =	vld [tilespmem:s18+$0x0];
	_ =	sdelay $0x4  }
0xa7: {  	v60 =	vshll.u32 v3, $0x1  }
0xa8: {  	v3 =	vand.u32 $0x7, v3;
	v4 =	vand.u32 $0xFFFFFFF0, v60  }
0xa9: {  	v3 =	vor.u32 v3, v4  }
0xaa: {  	v4 =	vperm.xlane v3, v0;
	_ =	sdelay $0x1  }
0xab: {  	v3 =	vperm.xlane v3, v2;
	v4 =	vadd.s32 v1, v4;
	_ =	sdelay $0x1  }
0xac: {  	v3 =	vadd.s32 v1, v3;
	_ =	sdelay $0x2  }
0xad: {  	[tilespmem:s4], [sflag:$0x2] =	stream.indirect_vreg.gather [hbm4b:s2+s3], $0x80, v4, vm0, $0xb8;
	[tilespmem:$0x11400] =	vst v63  }
0xae: {  	_ = 	snop  }
0xaf: {  	[tilespmem:s5], [sflag:$0x2] =	stream.indirect_vreg.gather [hbm4b:s2+s3], $0x80, v3, vm0, $0xb8;
	[tilespmem:$0x11400] =	vst v63  }
0xb0: {  	v3 =	vld [tilespmem:s18+$0x10];
	_ =	sdelay $0x4  }
0xb1: {  	v61 =	vshll.u32 v3, $0x1  }
0xb2: {  	v3 =	vand.u32 $0x7, v3;
	v4 =	vand.u32 $0xFFFFFFF0, v61  }
0xb3: {  	v3 =	vor.u32 v3, v4  }
0xb4: {  	v4 =	vperm.xlane v3, v0;
	_ =	sdelay $0x1  }
0xb5: {  	v3 =	vperm.xlane v3, v2;
	v4 =	vadd.s32 v1, v4;
	_ =	sdelay $0x1  }
0xb6: {  	v3 =	vadd.s32 v1, v3;
	_ =	sdelay $0x2  }
0xb7: {  	[tilespmem:s10], [sflag:$0x2] =	stream.indirect_vreg.gather [hbm4b:s2+s3], $0x80, v4, vm0, $0xb8;
	[tilespmem:$0x11400] =	vst v63  }
0xb8: {  	_ = 	snop  }
0xb9: {  	[tilespmem:s11], [sflag:$0x2] =	stream.indirect_vreg.gather [hbm4b:s2+s3], $0x80, v3, vm0, $0xb8;
	[tilespmem:$0x11400] =	vst v63  }
0xba: {  	v3 =	vld [tilespmem:s18+$0x20];
	_ =	sdelay $0x4  }
0xbb: {  	v62 =	vshll.u32 v3, $0x1  }
0xbc: {  	v3 =	vand.u32 $0x7, v3;
	v4 =	vand.u32 $0xFFFFFFF0, v62  }
0xbd: {  	v3 =	vor.u32 v3, v4  }
0xbe: {  	v4 =	vperm.xlane v3, v0;
	_ =	sdelay $0x1  }
0xbf: {  	v3 =	vperm.xlane v3, v2;
	v4 =	vadd.s32 v1, v4;
	_ =	sdelay $0x1  }
0xc0: {  	v3 =	vadd.s32 v1, v3;
	_ =	sdelay $0x2  }
0xc1: {  	[tilespmem:s12], [sflag:$0x2] =	stream.indirect_vreg.gather [hbm4b:s2+s3], $0x80, v4, vm0, $0xb8;
	[tilespmem:$0x11400] =	vst v63  }
0xc2: {  	_ = 	snop  }
0xc3: {  	[tilespmem:s13], [sflag:$0x2] =	stream.indirect_vreg.gather [hbm4b:s2+s3], $0x80, v3, vm0, $0xb8;
	[tilespmem:$0x11400] =	vst v63  }
0xc4: {  	v3 =	vld [tilespmem:s18+$0x30];
	_ =	sdelay $0x4  }
0xc5: {  	v63 =	vshll.u32 v3, $0x1  }
0xc6: {  	v3 =	vand.u32 $0x7, v3;
	v4 =	vand.u32 $0xFFFFFFF0, v63  }
0xc7: {  	v3 =	vor.u32 v3, v4  }
0xc8: {  	v4 =	vperm.xlane v3, v0;
	_ =	sdelay $0x1  }
0xc9: {  	v3 =	vperm.xlane v3, v2;
	v4 =	vadd.s32 v1, v4;
	_ =	sdelay $0x1  }
0xca: {  	v3 =	vadd.s32 v1, v3;
	_ =	sdelay $0x2  }
0xcb: {  	[tilespmem:s14], [sflag:$0x2] =	stream.indirect_vreg.gather [hbm4b:s2+s3], $0x80, v4, vm0, $0xb8;
	[tilespmem:$0x11400] =	vst v63  }
0xcc: {  	_ = 	snop  }
0xcd: {  	[tilespmem:s15], [sflag:$0x2] =	stream.indirect_vreg.gather [hbm4b:s2+s3], $0x80, v3, vm0, $0xb8;
	[tilespmem:$0x11400] =	vst v63  }
0xce: {  	_ =	swait.ge [sflag:s16], $0x8000  }
0xcf: {  	p0 =	seq.s32 s19, $0x26000;
	[sflag:s16] =	ssyncset.done $0x0  }
.Ltmp4:
0xd0: {  	s20 =	sadd.s32 s19, s7;
	[sflag:s16] =	ssyncadd.s32 $0xFFFF8000;
	(pc) =	sbr.rel @p0 .LBB2_4-.Ltmp4, $4  }
0xd1: {  	[hbm4b:s20+s3] =	stream.linear.scatter [tilespmem:s9], [sflag:$0x3], $0x8000, $0x38;
	[tilespmem:$0x11400] =	vst v63  }
0xd2: {  	_ =	swait.ge [sflag:s8], $0x8000  }
0xd3: {  	[sflag:s8] =	ssyncset.done $0x0  }
0xd4: {  	[sflag:s8] =	ssyncadd.s32 $0xFFFF8000  }
0xd5: {  	v3 =	vld [tilespmem:s18+$0x40];
	_ =	sdelay $0x4  }
0xd6: {  	v4 =	vshll.u32 v3, $0x1  }
0xd7: {  	v3 =	vand.u32 $0x7, v3;
	v4 =	vand.u32 $0xFFFFFFF0, v4  }
0xd8: {  	v3 =	vor.u32 v3, v4  }
0xd9: {  	v4 =	vperm.xlane v3, v0;
	_ =	sdelay $0x1  }
0xda: {  	v3 =	vperm.xlane v3, v2;
	v4 =	vadd.s32 v1, v4;
	_ =	sdelay $0x1  }
0xdb: {  	v3 =	vadd.s32 v1, v3;
	_ =	sdelay $0x2  }
0xdc: {  	[tilespmem:s9], [sflag:$0x1] =	stream.indirect_vreg.gather [hbm4b:s2+s3], $0x80, v4, vm0, $0xb8;
	[tilespmem:$0x11400] =	vst v63  }
0xdd: {  	s20 =	simm.s32 $0x1C00  }
0xde: {  	[tilespmem:s20], [sflag:$0x1] =	stream.indirect_vreg.gather [hbm4b:s2+s3], $0x80, v3, vm0, $0xb8;
	[tilespmem:$0x11400] =	vst v63  }
0xdf: {  	v3 =	vld [tilespmem:s18+$0x50];
	_ =	sdelay $0x4  }
0xe0: {  	v57 =	vshll.u32 v3, $0x1  }
0xe1: {  	v3 =	vand.u32 $0x7, v3;
	v4 =	vand.u32 $0xFFFFFFF0, v57  }
0xe2: {  	v3 =	vor.u32 v3, v4  }
0xe3: {  	v4 =	vperm.xlane v3, v0;
	_ =	sdelay $0x1  }
0xe4: {  	v3 =	vperm.xlane v3, v2;
	v4 =	vadd.s32 v1, v4;
	_ =	sdelay $0x1  }
0xe5: {  	v3 =	vadd.s32 v1, v3;
	_ =	sdelay $0x1  }
0xe6: {  	s20 =	simm.s32 $0x2400  }
0xe7: {  	[tilespmem:s20], [sflag:$0x1] =	stream.indirect_vreg.gather [hbm4b:s2+s3], $0x80, v4, vm0, $0xb8;
	[tilespmem:$0x11400] =	vst v63  }
0xe8: {  	s20 =	simm.s32 $0x2C00  }
0xe9: {  	[tilespmem:s20], [sflag:$0x1] =	stream.indirect_vreg.gather [hbm4b:s2+s3], $0x80, v3, vm0, $0xb8;
	[tilespmem:$0x11400] =	vst v63  }
0xea: {  	v3 =	vld [tilespmem:s18+$0x60];
	_ =	sdelay $0x4  }
0xeb: {  	v58 =	vshll.u32 v3, $0x1  }
0xec: {  	v3 =	vand.u32 $0x7, v3;
	v4 =	vand.u32 $0xFFFFFFF0, v58  }
0xed: {  	v3 =	vor.u32 v3, v4  }
0xee: {  	v4 =	vperm.xlane v3, v0;
	_ =	sdelay $0x1  }
0xef: {  	v3 =	vperm.xlane v3, v2;
	v4 =	vadd.s32 v1, v4;
	_ =	sdelay $0x1  }
0xf0: {  	v3 =	vadd.s32 v1, v3;
	_ =	sdelay $0x1  }
0xf1: {  	s20 =	simm.s32 $0x3400  }
0xf2: {  	[tilespmem:s20], [sflag:$0x1] =	stream.indirect_vreg.gather [hbm4b:s2+s3], $0x80, v4, vm0, $0xb8;
	[tilespmem:$0x11400] =	vst v63  }
0xf3: {  	s20 =	simm.s32 $0x3C00  }
0xf4: {  	[tilespmem:s20], [sflag:$0x1] =	stream.indirect_vreg.gather [hbm4b:s2+s3], $0x80, v3, vm0, $0xb8;
	[tilespmem:$0x11400] =	vst v63  }
0xf5: {  	v3 =	vld [tilespmem:s18+$0x70];
	_ =	sdelay $0x4  }
0xf6: {  	v59 =	vshll.u32 v3, $0x1  }
0xf7: {  	v3 =	vand.u32 $0x7, v3;
	v4 =	vand.u32 $0xFFFFFFF0, v59  }
0xf8: {  	v3 =	vor.u32 v3, v4  }
0xf9: {  	v4 =	vperm.xlane v3, v0;
	_ =	sdelay $0x1  }
0xfa: {  	v3 =	vperm.xlane v3, v2;
	v4 =	vadd.s32 v1, v4;
	_ =	sdelay $0x1  }
0xfb: {  	v3 =	vadd.s32 v1, v3;
	_ =	sdelay $0x1  }
0xfc: {  	s20 =	simm.s32 $0x4400  }
0xfd: {  	[tilespmem:s20], [sflag:$0x1] =	stream.indirect_vreg.gather [hbm4b:s2+s3], $0x80, v4, vm0, $0xb8;
	[tilespmem:$0x11400] =	vst v63  }
0xfe: {  	s20 =	simm.s32 $0x4C00  }
0xff: {  	[tilespmem:s20], [sflag:$0x1] =	stream.indirect_vreg.gather [hbm4b:s2+s3], $0x80, v3, vm0, $0xb8;
	[tilespmem:$0x11400] =	vst v63  }
0x100: {  	v3 =	vld [tilespmem:s18+$0x80];
	_ =	sdelay $0x4  }
0x101: {  	v60 =	vshll.u32 v3, $0x1  }
0x102: {  	v3 =	vand.u32 $0x7, v3;
	v4 =	vand.u32 $0xFFFFFFF0, v60  }
0x103: {  	v3 =	vor.u32 v3, v4  }
0x104: {  	v4 =	vperm.xlane v3, v0;
	_ =	sdelay $0x1  }
0x105: {  	v3 =	vperm.xlane v3, v2;
	v4 =	vadd.s32 v1, v4;
	_ =	sdelay $0x1  }
0x106: {  	v3 =	vadd.s32 v1, v3;
	_ =	sdelay $0x1  }
0x107: {  	s20 =	simm.s32 $0x5400  }
0x108: {  	[tilespmem:s20], [sflag:$0x1] =	stream.indirect_vreg.gather [hbm4b:s2+s3], $0x80, v4, vm0, $0xb8;
	[tilespmem:$0x11400] =	vst v63  }
0x109: {  	s20 =	simm.s32 $0x5C00  }
0x10a: {  	[tilespmem:s20], [sflag:$0x1] =	stream.indirect_vreg.gather [hbm4b:s2+s3], $0x80, v3, vm0, $0xb8;
	[tilespmem:$0x11400] =	vst v63  }
0x10b: {  	v3 =	vld [tilespmem:s18+$0x90];
	_ =	sdelay $0x4  }
0x10c: {  	v61 =	vshll.u32 v3, $0x1  }
0x10d: {  	v3 =	vand.u32 $0x7, v3;
	v4 =	vand.u32 $0xFFFFFFF0, v61  }
0x10e: {  	v3 =	vor.u32 v3, v4  }
0x10f: {  	v4 =	vperm.xlane v3, v0;
	_ =	sdelay $0x1  }
0x110: {  	v3 =	vperm.xlane v3, v2;
	v4 =	vadd.s32 v1, v4;
	_ =	sdelay $0x1  }
0x111: {  	v3 =	vadd.s32 v1, v3;
	_ =	sdelay $0x1  }
0x112: {  	s20 =	simm.s32 $0x6400  }
0x113: {  	[tilespmem:s20], [sflag:$0x1] =	stream.indirect_vreg.gather [hbm4b:s2+s3], $0x80, v4, vm0, $0xb8;
	[tilespmem:$0x11400] =	vst v63  }
0x114: {  	s20 =	simm.s32 $0x6C00  }
0x115: {  	[tilespmem:s20], [sflag:$0x1] =	stream.indirect_vreg.gather [hbm4b:s2+s3], $0x80, v3, vm0, $0xb8;
	[tilespmem:$0x11400] =	vst v63  }
0x116: {  	v3 =	vld [tilespmem:s18+$0xA0];
	_ =	sdelay $0x4  }
0x117: {  	v62 =	vshll.u32 v3, $0x1  }
0x118: {  	v3 =	vand.u32 $0x7, v3;
	v4 =	vand.u32 $0xFFFFFFF0, v62  }
0x119: {  	v3 =	vor.u32 v3, v4  }
0x11a: {  	v4 =	vperm.xlane v3, v0;
	_ =	sdelay $0x1  }
0x11b: {  	v3 =	vperm.xlane v3, v2;
	v4 =	vadd.s32 v1, v4;
	_ =	sdelay $0x1  }
0x11c: {  	v3 =	vadd.s32 v1, v3;
	_ =	sdelay $0x2  }
0x11d: {  	[tilespmem:s21], [sflag:$0x1] =	stream.indirect_vreg.gather [hbm4b:s2+s3], $0x80, v4, vm0, $0xb8;
	[tilespmem:$0x11400] =	vst v63  }
0x11e: {  	_ = 	snop  }
0x11f: {  	[tilespmem:s22], [sflag:$0x1] =	stream.indirect_vreg.gather [hbm4b:s2+s3], $0x80, v3, vm0, $0xb8;
	[tilespmem:$0x11400] =	vst v63  }
0x120: {  	v3 =	vld [tilespmem:s18+$0xB0];
	_ =	sdelay $0x4  }
0x121: {  	v63 =	vshll.u32 v3, $0x1  }
0x122: {  	v3 =	vand.u32 $0x7, v3;
	v4 =	vand.u32 $0xFFFFFFF0, v63  }
0x123: {  	v3 =	vor.u32 v3, v4  }
0x124: {  	v4 =	vperm.xlane v3, v0;
	_ =	sdelay $0x1  }
0x125: {  	v3 =	vperm.xlane v3, v2;
	v4 =	vadd.s32 v1, v4;
	_ =	sdelay $0x1  }
0x126: {  	v3 =	vadd.s32 v1, v3  }
.Ltmp5:
0x127: {  	_ = 	snop;
	(pc) =	sbr.rel .LBB2_4-.Ltmp5, $4  }
0x128: {  	_ = 	snop  }
0x129: {  	[tilespmem:s23], [sflag:$0x1] =	stream.indirect_vreg.gather [hbm4b:s2+s3], $0x80, v4, vm0, $0xb8;
	[tilespmem:$0x11400] =	vst v63  }
0x12a: {  	_ = 	snop  }
0x12b: {  	[tilespmem:s24], [sflag:$0x1] =	stream.indirect_vreg.gather [hbm4b:s2+s3], $0x80, v3, vm0, $0xb8;
	[tilespmem:$0x11400] =	vst v63  }
.LBB2_6:
0x12c: {  	_ =	sfence.sel $0x180000  }
0x12d: {  	[bflag:$0x0] =	sbarrier.arrive $0xFFFF  }
0x12e: {  	_ =	strace $0x90000047  }
0x12f: {  	s0 =	stileid.u32;
	[bflag:$0x2] =	sbarrier.arrive $0xFFFF  }
0x130: {  	p0 =	sne.s32 s0, $0x0;
	s0 =	rddreg [dreg:$0x2]  }
0x131: {  	s0 =	sadd.s32 @!p0 $0x100000, s0  }
0x132: {  	[sflag:s0] =	ssyncadd.tile.s32 @!p0 $0x1;
	_ =	shalt  }
.Lfunc_end2:
_tile_overlayer_lowered:
.L_overlay_start_2:
0x133: {  	(tag) =	ssettag $0x2  }
0x134: {  	s0 =	rddreg [dreg:$0x0];
	s2 =	stileid.u32  }
0x135: {  	s1 =	rddreg [dreg:$0x1];
	p0 =	sne.s32 s2, $0x0  }
0x136: {  	s3 =	rddreg [dreg:$0x2];
	[bflag:$0x3] =	sbarrier.arrive $0xFFFF;
	s2 =	simm.s32 @!p0 $0x1C03  }
0x137: {  	[timem:s3], [sflag:s2] =	dma.local @!p0 [hbm:s0], s1  }
0x138: {  	s0 =	simm.s32 @!p0 $0x3  }
0x139: {  	_ =	swait.ge @!p0 [sflag:s0], s1  }
0x13a: {  	s1 =	ssub.s32 @!p0 $0x0, s1;
	[sflag:s0] =	ssyncset.done @!p0 $0x0  }
0x13b: {  	[sflag:s0] =	ssyncadd.s32 @!p0 s1  }
0x13c: {  	[bflag:$0x3] =	sbarrier.arrive $0xFFFF  }
0x13d: {  	_ =	shalt  }

</sc_bundles>
